<compile_context>
chip_gen: v7x
topology: tpu7x:2x2x1
jax: 0.10.2.dev20260603
libtpu: 0.0.44.dev20260713+nightly
codegen_flags: <defaults>
</compile_context>

<pallas_src>
import functools

import jax
import jax.numpy as jnp
from jax import lax
from jax.experimental import pallas as pl
from jax.experimental.pallas import tpu as pltpu
from jax.experimental.pallas import tpu_sc as plsc

_CB = 8192
_D = 256
_M_BLK = 2048
_SLAB = 256
_N_SLABS = _CB // _SLAB


def _argmin_body(h_ref, cb_ref, h2_ref, c2_ref, idx_ref, dsum_ref, cbt_ref):
    m = pl.program_id(0)

    @pl.when(m == 0)
    def _precompute():
        cbt_ref[...] = cb_ref[...].T

    hm = h_ref[...]
    hm2 = hm * (-2.0)
    h2b = jnp.broadcast_to(h2_ref[...], (_M_BLK, 128))

    val = None
    gidx = None
    for g in range(_N_SLABS):
        mm2 = lax.dot_general(
            hm2, cbt_ref[:, g * _SLAB:(g + 1) * _SLAB],
            (((1,), (0,)), ((), ())), preferred_element_type=jnp.float32)
        d0 = (h2b + c2_ref[:, g * _SLAB:g * _SLAB + 128]) + mm2[:, :128]
        d1 = (h2b + c2_ref[:, g * _SLAB + 128:(g + 1) * _SLAB]) + mm2[:, 128:]
        take1 = d1 < d0
        sval = jnp.where(take1, d1, d0)
        sidx = jnp.where(take1, 2 * g + 1, 2 * g)
        if val is None:
            val, gidx = sval, sidx
        else:
            upd = sval < val
            val = jnp.where(upd, sval, val)
            gidx = jnp.where(upd, sidx, gidx)

    col = gidx * 128 + lax.broadcasted_iota(jnp.int32, (_M_BLK, 128), 1)
    best = jnp.min(val, axis=1, keepdims=True)
    idx = jnp.min(jnp.where(val == best, col, _CB), axis=1, keepdims=True)
    idx_ref[...] = idx

    @pl.when(m == 0)
    def _zero():
        dsum_ref[...] = jnp.zeros_like(dsum_ref)

    dsum_ref[...] += jnp.sum(best, keepdims=True)


def _argmin_call(flat, codebook):
    h2 = jnp.sum(flat ** 2, axis=-1, keepdims=True)
    c2 = jnp.sum(codebook ** 2, axis=-1).reshape(1, _CB)
    m_steps = flat.shape[0] // _M_BLK
    return pl.pallas_call(
        _argmin_body,
        grid=(m_steps,),
        in_specs=[
            pl.BlockSpec((_M_BLK, _D), lambda m: (m, 0)),
            pl.BlockSpec((_CB, _D), lambda m: (0, 0)),
            pl.BlockSpec((_M_BLK, 1), lambda m: (m, 0)),
            pl.BlockSpec((1, _CB), lambda m: (0, 0)),
        ],
        out_specs=[
            pl.BlockSpec((_M_BLK, 1), lambda m: (m, 0)),
            pl.BlockSpec((1, 1), lambda m: (0, 0)),
        ],
        out_shape=[
            jax.ShapeDtypeStruct((flat.shape[0], 1), jnp.int32),
            jax.ShapeDtypeStruct((1, 1), jnp.float32),
        ],
        scratch_shapes=[
            pltpu.VMEM((_D, _CB), jnp.float32),
        ],
        compiler_params=pltpu.CompilerParams(
            dimension_semantics=("arbitrary",),
        ),
    )(flat, codebook, h2, c2)


def _gather_z(codebook, idx_flat):
    info = plsc.get_sparse_core_info()
    nc, ns = info.num_cores, info.num_subcores
    nw = nc * ns
    b = idx_flat.shape[0]
    b_per_w = b // nw
    chunk = 128
    n_chunks = b_per_w // chunk
    idx2d = idx_flat.reshape(nw * n_chunks, chunk)
    mesh = plsc.VectorSubcoreMesh(core_axis_name="c", subcore_axis_name="s")

    @functools.partial(
        pl.kernel,
        out_type=jax.ShapeDtypeStruct((b, _D), jnp.float32),
        mesh=mesh,
        scratch_types=[
            pltpu.VMEM((n_chunks, chunk), jnp.int32),
            pltpu.VMEM((chunk, _D), jnp.float32),
            pltpu.VMEM((chunk, _D), jnp.float32),
            pltpu.SemaphoreType.DMA,
            pltpu.SemaphoreType.DMA,
        ],
    )
    def gather_k(cb_hbm, idx_hbm, out_hbm, idx_v, rows_a, rows_b, sem_a,
                 sem_b):
        wid = lax.axis_index("s") * nc + lax.axis_index("c")
        pltpu.sync_copy(idx_hbm.at[pl.ds(wid * n_chunks, n_chunks)], idx_v)
        bufs = (rows_a, rows_b)
        sems = (sem_a, sem_b)
        pend = [None, None]
        pend[0] = pltpu.async_copy(cb_hbm.at[idx_v.at[0]], rows_a, sem_a)
        for cc in range(n_chunks):
            if cc + 1 < n_chunks:
                pend[(cc + 1) % 2] = pltpu.async_copy(
                    cb_hbm.at[idx_v.at[cc + 1]], bufs[(cc + 1) % 2],
                    sems[(cc + 1) % 2])
            pend[cc % 2].wait()
            pltpu.sync_copy(
                bufs[cc % 2],
                out_hbm.at[pl.ds(wid * b_per_w + cc * chunk, chunk)])

    return gather_k(codebook, idx2d)


def kernel(h, codebook):
    b, t, d = h.shape
    flat = h.reshape(-1, d)
    idx_col, dsum = _argmin_call(flat, codebook)
    idx_flat = idx_col.reshape(-1)
    z = _gather_z(codebook, idx_flat)
    z_q = z.reshape(b, t, d)
    loss = dsum[0, 0] / (b * t * d)
    indices = idx_flat.reshape(b, t)
    return z_q, indices, loss, loss

# --- scband reference (transcript-rebuilt; emitter-appended) ---
"""Pipeline reference for scband-vector-quantiser-56075093017340 (READ-ONLY COPY).

The authoritative reference and input builder live on the scoring server;
editing this copy changes nothing except your own understanding.
"""

import jax, jax.numpy as jnp
import numpy as np

CODEBOOK_SIZE = 8192
DIM = 256
BETA = 0.25


def setup_inputs(seed: int = 0) -> dict:
    key = jax.random.key(seed)
    k1, k2 = jax.random.split(key)
    h = jax.random.normal(k1, (16, 1024, 256), dtype=jnp.float32)
    codebook = jax.random.normal(k2, (CODEBOOK_SIZE, DIM), dtype=jnp.float32) * 0.02
    return {"h": h, "codebook": codebook}


def reference(h, codebook):
    B, T, D = h.shape
    flat = h.reshape(-1, D)
    h2 = jnp.sum(flat ** 2, axis=-1, keepdims=True)
    c2 = jnp.sum(codebook ** 2, axis=-1)
    dist = h2 + c2 - 2.0 * flat @ codebook.T
    indices = jnp.argmin(dist, axis=-1)
    z = jnp.take(codebook, indices, axis=0)
    z = z.reshape(B, T, D)
    commit_loss = jnp.mean((jax.lax.stop_gradient(h) - z) ** 2)
    codebook_loss = jnp.mean((h - jax.lax.stop_gradient(z)) ** 2)
    z_q = h + jax.lax.stop_gradient(z - h)
    return z_q, indices.reshape(B, T), commit_loss, codebook_loss

if __name__ == "__main__":
    import jax
    _d = setup_inputs()
    print(jax.jit(kernel)(*tuple(_d.values())))

</pallas_src>

<mosaic_0001>
#map = affine_map<(d0, d1) -> (0, 0)>
module attributes {stable_mosaic.version = 14 : i64} {
  func.func @gather_k(%arg0: i32, %arg1: i32, %arg2: memref<8192x256xf32, #tpu.memory_space<hbm>>, %arg3: memref<128x128xi32, #tpu.memory_space<hbm>>, %arg4: memref<16384x256xf32, #tpu.memory_space<hbm>>, %arg5: memref<4x128xi32, #tpu.memory_space<vmem>>, %arg6: memref<128x256xf32, #tpu.memory_space<vmem>>, %arg7: memref<128x256xf32, #tpu.memory_space<vmem>>, %arg8: memref<!tpu.dma_semaphore, #tpu.memory_space<semaphore_mem>>, %arg9: memref<!tpu.dma_semaphore, #tpu.memory_space<semaphore_mem>>) attributes {dimension_semantics = [#tpu.dimension_semantics<core_parallel>, #tpu.dimension_semantics<subcore_parallel>], iteration_bounds = array<i64: 2, 16>, scalar_prefetch = 0 : i64, scratch_operands = 5 : i64, tpu.core_type = #tpu.core_type<sc_vector_subcore>, window_params = [{transform_indices = #map}, {transform_indices = #map}, {transform_indices = #map}]} {
    %mul3A = arith.constant 2 : i32
    %mul3A_0 = arith.muli %arg1, %mul3A : i32
    %add3A = arith.addi %mul3A_0, %arg0 : i32
    %mul3A_1 = arith.constant 4 : i32
    %mul3A_2 = arith.muli %add3A, %mul3A_1 : i32
    "tpu.region"() ({
      %run_scoped3A = tpu.sem_alloc : memref<!tpu.dma_semaphore, #tpu.memory_space<semaphore_mem>>
      %dma_start3A_73 = arith.constant 0 : i32
      %dma_start3A_74 = tpu.memref_slice %arg3[%mul3A_2, %dma_start3A_73] : memref<128x128xi32, #tpu.memory_space<hbm>> -> memref<4x128xi32, #tpu.memory_space<hbm>>
      %dma_start3A_75 = arith.constant 0 : i32
      %dma_start3A_76 = tpu.memref_slice %arg3[%mul3A_2, %dma_start3A_75] : memref<128x128xi32, #tpu.memory_space<hbm>> -> memref<4x128xi32, #tpu.memory_space<hbm>>
      tpu.enqueue_dma source(%dma_start3A_76 : memref<4x128xi32, #tpu.memory_space<hbm>>) target(%arg5 : memref<4x128xi32, #tpu.memory_space<vmem>>) target_semaphore(%run_scoped3A : memref<!tpu.dma_semaphore, #tpu.memory_space<semaphore_mem>>)
      %dma_wait3A_77 = arith.constant 0 : i32
      %dma_wait3A_78 = tpu.memref_slice %arg3[%mul3A_2, %dma_wait3A_77] : memref<128x128xi32, #tpu.memory_space<hbm>> -> memref<4x128xi32, #tpu.memory_space<hbm>>
      %dma_wait3A_79 = arith.constant 0 : i32
      %dma_wait3A_80 = tpu.memref_slice %arg3[%mul3A_2, %dma_wait3A_79] : memref<128x128xi32, #tpu.memory_space<hbm>> -> memref<4x128xi32, #tpu.memory_space<hbm>>
      tpu.wait_dma2 semaphore(%run_scoped3A : memref<!tpu.dma_semaphore, #tpu.memory_space<semaphore_mem>>) src(%dma_wait3A_80 : memref<4x128xi32, #tpu.memory_space<hbm>>) dst(%arg5 : memref<4x128xi32, #tpu.memory_space<vmem>>)
      tpu.yield
    }) : () -> ()
    %dma_start3A = arith.constant 0 : i32
    %dma_start3A_3 = arith.constant 0 : i32
    %dma_start3A_4 = tpu.memref_slice %arg5[%dma_start3A, %dma_start3A_3] : memref<4x128xi32, #tpu.memory_space<vmem>> -> memref<1x128xi32, #tpu.memory_space<vmem>>
    %dma_start3A_5 = tpu.memref_squeeze %dma_start3A_4 : memref<1x128xi32, #tpu.memory_space<vmem>> -> memref<128xi32, #tpu.memory_space<vmem>>
    %dma_start3A_6 = arith.constant 0 : i32
    %dma_start3A_7 = arith.constant 0 : i32
    %dma_start3A_8 = tpu.memref_slice %arg2[%dma_start3A_6, %dma_start3A_7] : memref<8192x256xf32, #tpu.memory_space<hbm>> -> memref<8192x256xf32, #tpu.memory_space<hbm>>
    tpu.enqueue_indirect_dma source(%dma_start3A_8 : memref<8192x256xf32, #tpu.memory_space<hbm>>) target(%arg6 : memref<128x256xf32, #tpu.memory_space<vmem>>) offsets(%dma_start3A_5 : memref<128xi32, #tpu.memory_space<vmem>>) semaphore(%arg8 : memref<!tpu.dma_semaphore, #tpu.memory_space<semaphore_mem>>)
    %dma_start3A_9 = arith.constant 1 : i32
    %dma_start3A_10 = arith.constant 0 : i32
    %dma_start3A_11 = tpu.memref_slice %arg5[%dma_start3A_9, %dma_start3A_10] : memref<4x128xi32, #tpu.memory_space<vmem>> -> memref<1x128xi32, #tpu.memory_space<vmem>>
    %dma_start3A_12 = tpu.memref_squeeze %dma_start3A_11 : memref<1x128xi32, #tpu.memory_space<vmem>> -> memref<128xi32, #tpu.memory_space<vmem>>
    %dma_start3A_13 = arith.constant 0 : i32
    %dma_start3A_14 = arith.constant 0 : i32
    %dma_start3A_15 = tpu.memref_slice %arg2[%dma_start3A_13, %dma_start3A_14] : memref<8192x256xf32, #tpu.memory_space<hbm>> -> memref<8192x256xf32, #tpu.memory_space<hbm>>
    tpu.enqueue_indirect_dma source(%dma_start3A_15 : memref<8192x256xf32, #tpu.memory_space<hbm>>) target(%arg7 : memref<128x256xf32, #tpu.memory_space<vmem>>) offsets(%dma_start3A_12 : memref<128xi32, #tpu.memory_space<vmem>>) semaphore(%arg9 : memref<!tpu.dma_semaphore, #tpu.memory_space<semaphore_mem>>)
    %dma_wait3A = arith.constant 0 : i32
    %dma_wait3A_16 = arith.constant 0 : i32
    %dma_wait3A_17 = tpu.memref_slice %arg5[%dma_wait3A, %dma_wait3A_16] : memref<4x128xi32, #tpu.memory_space<vmem>> -> memref<1x128xi32, #tpu.memory_space<vmem>>
    %dma_wait3A_18 = tpu.memref_squeeze %dma_wait3A_17 : memref<1x128xi32, #tpu.memory_space<vmem>> -> memref<128xi32, #tpu.memory_space<vmem>>
    %dma_wait3A_19 = arith.constant 0 : i32
    %dma_wait3A_20 = arith.constant 0 : i32
    %dma_wait3A_21 = tpu.memref_slice %arg2[%dma_wait3A_19, %dma_wait3A_20] : memref<8192x256xf32, #tpu.memory_space<hbm>> -> memref<8192x256xf32, #tpu.memory_space<hbm>>
    tpu.wait_indirect_dma semaphore(%arg8 : memref<!tpu.dma_semaphore, #tpu.memory_space<semaphore_mem>>) src(%dma_wait3A_21 : memref<8192x256xf32, #tpu.memory_space<hbm>>) dst(%arg6 : memref<128x256xf32, #tpu.memory_space<vmem>>)
    %mul3A_22 = arith.constant 512 : i32
    %mul3A_23 = arith.muli %add3A, %mul3A_22 : i32
    %add3A_24 = arith.constant 0 : i32
    %add3A_25 = arith.addi %mul3A_23, %add3A_24 : i32
    "tpu.region"() ({
      %run_scoped3A = tpu.sem_alloc : memref<!tpu.dma_semaphore, #tpu.memory_space<semaphore_mem>>
      %dma_start3A_73 = arith.constant 0 : i32
      %dma_start3A_74 = tpu.memref_slice %arg4[%add3A_25, %dma_start3A_73] : memref<16384x256xf32, #tpu.memory_space<hbm>> -> memref<128x256xf32, #tpu.memory_space<hbm>>
      %dma_start3A_75 = arith.constant 0 : i32
      %dma_start3A_76 = tpu.memref_slice %arg4[%add3A_25, %dma_start3A_75] : memref<16384x256xf32, #tpu.memory_space<hbm>> -> memref<128x256xf32, #tpu.memory_space<hbm>>
      tpu.enqueue_dma source(%arg6 : memref<128x256xf32, #tpu.memory_space<vmem>>) target(%dma_start3A_76 : memref<128x256xf32, #tpu.memory_space<hbm>>) target_semaphore(%run_scoped3A : memref<!tpu.dma_semaphore, #tpu.memory_space<semaphore_mem>>)
      %dma_wait3A_77 = arith.constant 0 : i32
      %dma_wait3A_78 = tpu.memref_slice %arg4[%add3A_25, %dma_wait3A_77] : memref<16384x256xf32, #tpu.memory_space<hbm>> -> memref<128x256xf32, #tpu.memory_space<hbm>>
      %dma_wait3A_79 = arith.constant 0 : i32
      %dma_wait3A_80 = tpu.memref_slice %arg4[%add3A_25, %dma_wait3A_79] : memref<16384x256xf32, #tpu.memory_space<hbm>> -> memref<128x256xf32, #tpu.memory_space<hbm>>
      tpu.wait_dma2 semaphore(%run_scoped3A : memref<!tpu.dma_semaphore, #tpu.memory_space<semaphore_mem>>) src(%arg6 : memref<128x256xf32, #tpu.memory_space<vmem>>) dst(%dma_wait3A_80 : memref<128x256xf32, #tpu.memory_space<hbm>>)
      tpu.yield
    }) : () -> ()
    %dma_start3A_26 = arith.constant 2 : i32
    %dma_start3A_27 = arith.constant 0 : i32
    %dma_start3A_28 = tpu.memref_slice %arg5[%dma_start3A_26, %dma_start3A_27] : memref<4x128xi32, #tpu.memory_space<vmem>> -> memref<1x128xi32, #tpu.memory_space<vmem>>
    %dma_start3A_29 = tpu.memref_squeeze %dma_start3A_28 : memref<1x128xi32, #tpu.memory_space<vmem>> -> memref<128xi32, #tpu.memory_space<vmem>>
    %dma_start3A_30 = arith.constant 0 : i32
    %dma_start3A_31 = arith.constant 0 : i32
    %dma_start3A_32 = tpu.memref_slice %arg2[%dma_start3A_30, %dma_start3A_31] : memref<8192x256xf32, #tpu.memory_space<hbm>> -> memref<8192x256xf32, #tpu.memory_space<hbm>>
    tpu.enqueue_indirect_dma source(%dma_start3A_32 : memref<8192x256xf32, #tpu.memory_space<hbm>>) target(%arg6 : memref<128x256xf32, #tpu.memory_space<vmem>>) offsets(%dma_start3A_29 : memref<128xi32, #tpu.memory_space<vmem>>) semaphore(%arg8 : memref<!tpu.dma_semaphore, #tpu.memory_space<semaphore_mem>>)
    %dma_wait3A_33 = arith.constant 1 : i32
    %dma_wait3A_34 = arith.constant 0 : i32
    %dma_wait3A_35 = tpu.memref_slice %arg5[%dma_wait3A_33, %dma_wait3A_34] : memref<4x128xi32, #tpu.memory_space<vmem>> -> memref<1x128xi32, #tpu.memory_space<vmem>>
    %dma_wait3A_36 = tpu.memref_squeeze %dma_wait3A_35 : memref<1x128xi32, #tpu.memory_space<vmem>> -> memref<128xi32, #tpu.memory_space<vmem>>
    %dma_wait3A_37 = arith.constant 0 : i32
    %dma_wait3A_38 = arith.constant 0 : i32
    %dma_wait3A_39 = tpu.memref_slice %arg2[%dma_wait3A_37, %dma_wait3A_38] : memref<8192x256xf32, #tpu.memory_space<hbm>> -> memref<8192x256xf32, #tpu.memory_space<hbm>>
    tpu.wait_indirect_dma semaphore(%arg9 : memref<!tpu.dma_semaphore, #tpu.memory_space<semaphore_mem>>) src(%dma_wait3A_39 : memref<8192x256xf32, #tpu.memory_space<hbm>>) dst(%arg7 : memref<128x256xf32, #tpu.memory_space<vmem>>)
    %mul3A_40 = arith.constant 512 : i32
    %mul3A_41 = arith.muli %add3A, %mul3A_40 : i32
    %add3A_42 = arith.constant 128 : i32
    %add3A_43 = arith.addi %mul3A_41, %add3A_42 : i32
    "tpu.region"() ({
      %run_scoped3A = tpu.sem_alloc : memref<!tpu.dma_semaphore, #tpu.memory_space<semaphore_mem>>
      %dma_start3A_73 = arith.constant 0 : i32
      %dma_start3A_74 = tpu.memref_slice %arg4[%add3A_43, %dma_start3A_73] : memref<16384x256xf32, #tpu.memory_space<hbm>> -> memref<128x256xf32, #tpu.memory_space<hbm>>
      %dma_start3A_75 = arith.constant 0 : i32
      %dma_start3A_76 = tpu.memref_slice %arg4[%add3A_43, %dma_start3A_75] : memref<16384x256xf32, #tpu.memory_space<hbm>> -> memref<128x256xf32, #tpu.memory_space<hbm>>
      tpu.enqueue_dma source(%arg7 : memref<128x256xf32, #tpu.memory_space<vmem>>) target(%dma_start3A_76 : memref<128x256xf32, #tpu.memory_space<hbm>>) target_semaphore(%run_scoped3A : memref<!tpu.dma_semaphore, #tpu.memory_space<semaphore_mem>>)
      %dma_wait3A_77 = arith.constant 0 : i32
      %dma_wait3A_78 = tpu.memref_slice %arg4[%add3A_43, %dma_wait3A_77] : memref<16384x256xf32, #tpu.memory_space<hbm>> -> memref<128x256xf32, #tpu.memory_space<hbm>>
      %dma_wait3A_79 = arith.constant 0 : i32
      %dma_wait3A_80 = tpu.memref_slice %arg4[%add3A_43, %dma_wait3A_79] : memref<16384x256xf32, #tpu.memory_space<hbm>> -> memref<128x256xf32, #tpu.memory_space<hbm>>
      tpu.wait_dma2 semaphore(%run_scoped3A : memref<!tpu.dma_semaphore, #tpu.memory_space<semaphore_mem>>) src(%arg7 : memref<128x256xf32, #tpu.memory_space<vmem>>) dst(%dma_wait3A_80 : memref<128x256xf32, #tpu.memory_space<hbm>>)
      tpu.yield
    }) : () -> ()
    %dma_start3A_44 = arith.constant 3 : i32
    %dma_start3A_45 = arith.constant 0 : i32
    %dma_start3A_46 = tpu.memref_slice %arg5[%dma_start3A_44, %dma_start3A_45] : memref<4x128xi32, #tpu.memory_space<vmem>> -> memref<1x128xi32, #tpu.memory_space<vmem>>
    %dma_start3A_47 = tpu.memref_squeeze %dma_start3A_46 : memref<1x128xi32, #tpu.memory_space<vmem>> -> memref<128xi32, #tpu.memory_space<vmem>>
    %dma_start3A_48 = arith.constant 0 : i32
    %dma_start3A_49 = arith.constant 0 : i32
    %dma_start3A_50 = tpu.memref_slice %arg2[%dma_start3A_48, %dma_start3A_49] : memref<8192x256xf32, #tpu.memory_space<hbm>> -> memref<8192x256xf32, #tpu.memory_space<hbm>>
    tpu.enqueue_indirect_dma source(%dma_start3A_50 : memref<8192x256xf32, #tpu.memory_space<hbm>>) target(%arg7 : memref<128x256xf32, #tpu.memory_space<vmem>>) offsets(%dma_start3A_47 : memref<128xi32, #tpu.memory_space<vmem>>) semaphore(%arg9 : memref<!tpu.dma_semaphore, #tpu.memory_space<semaphore_mem>>)
    %dma_wait3A_51 = arith.constant 2 : i32
    %dma_wait3A_52 = arith.constant 0 : i32
    %dma_wait3A_53 = tpu.memref_slice %arg5[%dma_wait3A_51, %dma_wait3A_52] : memref<4x128xi32, #tpu.memory_space<vmem>> -> memref<1x128xi32, #tpu.memory_space<vmem>>
    %dma_wait3A_54 = tpu.memref_squeeze %dma_wait3A_53 : memref<1x128xi32, #tpu.memory_space<vmem>> -> memref<128xi32, #tpu.memory_space<vmem>>
    %dma_wait3A_55 = arith.constant 0 : i32
    %dma_wait3A_56 = arith.constant 0 : i32
    %dma_wait3A_57 = tpu.memref_slice %arg2[%dma_wait3A_55, %dma_wait3A_56] : memref<8192x256xf32, #tpu.memory_space<hbm>> -> memref<8192x256xf32, #tpu.memory_space<hbm>>
    tpu.wait_indirect_dma semaphore(%arg8 : memref<!tpu.dma_semaphore, #tpu.memory_space<semaphore_mem>>) src(%dma_wait3A_57 : memref<8192x256xf32, #tpu.memory_space<hbm>>) dst(%arg6 : memref<128x256xf32, #tpu.memory_space<vmem>>)
    %mul3A_58 = arith.constant 512 : i32
    %mul3A_59 = arith.muli %add3A, %mul3A_58 : i32
    %add3A_60 = arith.constant 256 : i32
    %add3A_61 = arith.addi %mul3A_59, %add3A_60 : i32
    "tpu.region"() ({
      %run_scoped3A = tpu.sem_alloc : memref<!tpu.dma_semaphore, #tpu.memory_space<semaphore_mem>>
      %dma_start3A_73 = arith.constant 0 : i32
      %dma_start3A_74 = tpu.memref_slice %arg4[%add3A_61, %dma_start3A_73] : memref<16384x256xf32, #tpu.memory_space<hbm>> -> memref<128x256xf32, #tpu.memory_space<hbm>>
      %dma_start3A_75 = arith.constant 0 : i32
      %dma_start3A_76 = tpu.memref_slice %arg4[%add3A_61, %dma_start3A_75] : memref<16384x256xf32, #tpu.memory_space<hbm>> -> memref<128x256xf32, #tpu.memory_space<hbm>>
      tpu.enqueue_dma source(%arg6 : memref<128x256xf32, #tpu.memory_space<vmem>>) target(%dma_start3A_76 : memref<128x256xf32, #tpu.memory_space<hbm>>) target_semaphore(%run_scoped3A : memref<!tpu.dma_semaphore, #tpu.memory_space<semaphore_mem>>)
      %dma_wait3A_77 = arith.constant 0 : i32
      %dma_wait3A_78 = tpu.memref_slice %arg4[%add3A_61, %dma_wait3A_77] : memref<16384x256xf32, #tpu.memory_space<hbm>> -> memref<128x256xf32, #tpu.memory_space<hbm>>
      %dma_wait3A_79 = arith.constant 0 : i32
      %dma_wait3A_80 = tpu.memref_slice %arg4[%add3A_61, %dma_wait3A_79] : memref<16384x256xf32, #tpu.memory_space<hbm>> -> memref<128x256xf32, #tpu.memory_space<hbm>>
      tpu.wait_dma2 semaphore(%run_scoped3A : memref<!tpu.dma_semaphore, #tpu.memory_space<semaphore_mem>>) src(%arg6 : memref<128x256xf32, #tpu.memory_space<vmem>>) dst(%dma_wait3A_80 : memref<128x256xf32, #tpu.memory_space<hbm>>)
      tpu.yield
    }) : () -> ()
    %dma_wait3A_62 = arith.constant 3 : i32
    %dma_wait3A_63 = arith.constant 0 : i32
    %dma_wait3A_64 = tpu.memref_slice %arg5[%dma_wait3A_62, %dma_wait3A_63] : memref<4x128xi32, #tpu.memory_space<vmem>> -> memref<1x128xi32, #tpu.memory_space<vmem>>
    %dma_wait3A_65 = tpu.memref_squeeze %dma_wait3A_64 : memref<1x128xi32, #tpu.memory_space<vmem>> -> memref<128xi32, #tpu.memory_space<vmem>>
    %dma_wait3A_66 = arith.constant 0 : i32
    %dma_wait3A_67 = arith.constant 0 : i32
    %dma_wait3A_68 = tpu.memref_slice %arg2[%dma_wait3A_66, %dma_wait3A_67] : memref<8192x256xf32, #tpu.memory_space<hbm>> -> memref<8192x256xf32, #tpu.memory_space<hbm>>
    tpu.wait_indirect_dma semaphore(%arg9 : memref<!tpu.dma_semaphore, #tpu.memory_space<semaphore_mem>>) src(%dma_wait3A_68 : memref<8192x256xf32, #tpu.memory_space<hbm>>) dst(%arg7 : memref<128x256xf32, #tpu.memory_space<vmem>>)
    %mul3A_69 = arith.constant 512 : i32
    %mul3A_70 = arith.muli %add3A, %mul3A_69 : i32
    %add3A_71 = arith.constant 384 : i32
    %add3A_72 = arith.addi %mul3A_70, %add3A_71 : i32
    "tpu.region"() ({
      %run_scoped3A = tpu.sem_alloc : memref<!tpu.dma_semaphore, #tpu.memory_space<semaphore_mem>>
      %dma_start3A_73 = arith.constant 0 : i32
      %dma_start3A_74 = tpu.memref_slice %arg4[%add3A_72, %dma_start3A_73] : memref<16384x256xf32, #tpu.memory_space<hbm>> -> memref<128x256xf32, #tpu.memory_space<hbm>>
      %dma_start3A_75 = arith.constant 0 : i32
      %dma_start3A_76 = tpu.memref_slice %arg4[%add3A_72, %dma_start3A_75] : memref<16384x256xf32, #tpu.memory_space<hbm>> -> memref<128x256xf32, #tpu.memory_space<hbm>>
      tpu.enqueue_dma source(%arg7 : memref<128x256xf32, #tpu.memory_space<vmem>>) target(%dma_start3A_76 : memref<128x256xf32, #tpu.memory_space<hbm>>) target_semaphore(%run_scoped3A : memref<!tpu.dma_semaphore, #tpu.memory_space<semaphore_mem>>)
      %dma_wait3A_77 = arith.constant 0 : i32
      %dma_wait3A_78 = tpu.memref_slice %arg4[%add3A_72, %dma_wait3A_77] : memref<16384x256xf32, #tpu.memory_space<hbm>> -> memref<128x256xf32, #tpu.memory_space<hbm>>
      %dma_wait3A_79 = arith.constant 0 : i32
      %dma_wait3A_80 = tpu.memref_slice %arg4[%add3A_72, %dma_wait3A_79] : memref<16384x256xf32, #tpu.memory_space<hbm>> -> memref<128x256xf32, #tpu.memory_space<hbm>>
      tpu.wait_dma2 semaphore(%run_scoped3A : memref<!tpu.dma_semaphore, #tpu.memory_space<semaphore_mem>>) src(%arg7 : memref<128x256xf32, #tpu.memory_space<vmem>>) dst(%dma_wait3A_80 : memref<128x256xf32, #tpu.memory_space<hbm>>)
      tpu.yield
    }) : () -> ()
    return
  }
}

module attributes {stable_mosaic.version = 14 : i64} {
  func.func @_argmin_body(%arg0: i32, %arg1: memref<2048x256xf32, #tpu.memory_space<vmem>>, %arg2: memref<8192x256xf32, #tpu.memory_space<vmem>>, %arg3: memref<2048x1xf32, #tpu.memory_space<vmem>>, %arg4: memref<1x8192xf32, #tpu.memory_space<vmem>>, %arg5: memref<2048x1xi32, #tpu.memory_space<vmem>>, %arg6: memref<1x1xf32, #tpu.memory_space<vmem>>, %arg7: memref<256x8192xf32, #tpu.memory_space<vmem>>) attributes {dimension_semantics = [#tpu.dimension_semantics<arbitrary>], iteration_bounds = array<i64: 8>, scalar_prefetch = 0 : i64, scratch_operands = 1 : i64, tpu.core_type = #tpu.core_type<tc>, window_params = [{transform_indices = @transform_0, window_bounds = array<i64: 2048, 256>}, {pipeline_mode = #tpu.pipeline_mode<synchronous>, transform_indices = @transform_1, window_bounds = array<i64: 8192, 256>}, {transform_indices = @transform_2, window_bounds = array<i64: 2048, 1>}, {pipeline_mode = #tpu.pipeline_mode<synchronous>, transform_indices = @transform_3, window_bounds = array<i64: 1, 8192>}, {transform_indices = @transform_4, window_bounds = array<i64: 2048, 1>}, {pipeline_mode = #tpu.pipeline_mode<synchronous>, transform_indices = @transform_5, window_bounds = array<i64: 1, 1>}]} {
    %eq3A = arith.constant 0 : i32
    %eq3A_0 = arith.cmpi eq, %arg0, %eq3A : i32
    %convert_element_type3A = arith.extui %eq3A_0 : i1 to i32
    %cond3A = arith.constant 0 : i32
    %cond3A_1 = arith.cmpi ne, %convert_element_type3A, %cond3A : i32
    scf.if %cond3A_1 {
      %get3A_962 = arith.constant 0 : index
      %get3A_963 = arith.constant 0 : index
      %get3A_964 = vector.load %arg2[%get3A_962, %get3A_963] : memref<8192x256xf32, #tpu.memory_space<vmem>>, vector<8192x256xf32>
      %transpose3A = tpu.transpose %get3A_964, [1, 0] : vector<8192x256xf32> -> vector<256x8192xf32>
      %swap3A_965 = arith.constant 0 : index
      %swap3A_966 = arith.constant 0 : index
      %swap3A_967 = vector.load %arg7[%swap3A_965, %swap3A_966] : memref<256x8192xf32, #tpu.memory_space<vmem>>, vector<256x8192xf32>
      tpu.vector_store %arg7[%swap3A_965, %swap3A_966], %transpose3A {strides = array<i32>} : memref<256x8192xf32, #tpu.memory_space<vmem>>, vector<256x8192xf32>,
    } else {
    }
    %get3A = arith.constant 0 : index
    %get3A_2 = arith.constant 0 : index
    %get3A_3 = vector.load %arg1[%get3A, %get3A_2] : memref<2048x256xf32, #tpu.memory_space<vmem>>, vector<2048x256xf32>
    %mul3A = arith.constant -2.000000e+00 : f32
    %mul3A_4 = vector.broadcast %mul3A : f32 to vector<2048x256xf32>
    %mul3A_5 = arith.mulf %get3A_3, %mul3A_4 : vector<2048x256xf32>
    %get3A_6 = arith.constant 0 : index
    %get3A_7 = arith.constant 0 : index
    %get3A_8 = vector.load %arg3[%get3A_6, %get3A_7] : memref<2048x1xf32, #tpu.memory_space<vmem>>, vector<2048x1xf32>
    %broadcast_in_dim3A = vector.shape_cast %get3A_8 : vector<2048x1xf32> to vector<2048x1xf32>
    %broadcast_in_dim3A_9 = vector.broadcast %broadcast_in_dim3A : vector<2048x1xf32> to vector<2048x128xf32>
    %get3A_10 = arith.constant 0 : index
    %get3A_11 = arith.constant 0 : index
    %get3A_12 = vector.load %arg7[%get3A_10, %get3A_11] : memref<256x8192xf32, #tpu.memory_space<vmem>>, vector<256x256xf32>
    %dot_general3A = arith.constant dense<0.000000e+00> : vector<2048x256xf32>
    %dot_general3A_13 = tpu.matmul %mul3A_5, %get3A_12, %dot_general3A {dimension_numbers = #tpu.dot_dimension_numbers<[1], [0], [0], [1], [0, 0, 1, 1], [], []>, transpose_lhs_hint = false} : vector<2048x256xf32>, vector<256x256xf32>, vector<2048x256xf32> -> vector<2048x256xf32>
    %get3A_14 = arith.constant 0 : index
    %get3A_15 = arith.constant 0 : index
    %get3A_16 = vector.load %arg4[%get3A_14, %get3A_15] : memref<1x8192xf32, #tpu.memory_space<vmem>>, vector<1x128xf32>
    %add3A = vector.broadcast %get3A_16 : vector<1x128xf32> to vector<2048x128xf32>
    %add3A_17 = arith.addf %broadcast_in_dim3A_9, %add3A : vector<2048x128xf32>
    %slice3A = vector.extract_strided_slice %dot_general3A_13 {offsets = [0, 0], sizes = [2048, 128], strides = [1, 1]} : vector<2048x256xf32> to vector<2048x128xf32>
    %add3A_18 = arith.addf %add3A_17, %slice3A : vector<2048x128xf32>
    %get3A_19 = arith.constant 0 : index
    %get3A_20 = arith.constant 128 : index
    %get3A_21 = vector.load %arg4[%get3A_19, %get3A_20] : memref<1x8192xf32, #tpu.memory_space<vmem>>, vector<1x128xf32>
    %add3A_22 = vector.broadcast %get3A_21 : vector<1x128xf32> to vector<2048x128xf32>
    %add3A_23 = arith.addf %broadcast_in_dim3A_9, %add3A_22 : vector<2048x128xf32>
    %slice3A_24 = vector.extract_strided_slice %dot_general3A_13 {offsets = [0, 128], sizes = [2048, 128], strides = [1, 1]} : vector<2048x256xf32> to vector<2048x128xf32>
    %add3A_25 = arith.addf %add3A_23, %slice3A_24 : vector<2048x128xf32>
    %lt3A = arith.cmpf olt, %add3A_25, %add3A_18 : vector<2048x128xf32>
    %select_n3A = arith.select %lt3A, %add3A_25, %add3A_18 : vector<2048x128xi1>, vector<2048x128xf32>
    %jit3A = arith.constant 1 : i32
    %jit3A_26 = arith.constant 0 : i32
    %broadcast_in_dim3A_27 = vector.broadcast %jit3A : i32 to vector<2048x128xi32>
    %broadcast_in_dim3A_28 = vector.broadcast %jit3A_26 : i32 to vector<2048x128xi32>
    %select_n3A_29 = arith.select %lt3A, %broadcast_in_dim3A_27, %broadcast_in_dim3A_28 : vector<2048x128xi1>, vector<2048x128xi32>
    %get3A_30 = arith.constant 0 : index
    %get3A_31 = arith.constant 256 : index
    %get3A_32 = vector.load %arg7[%get3A_30, %get3A_31] : memref<256x8192xf32, #tpu.memory_space<vmem>>, vector<256x256xf32>
    %dot_general3A_33 = arith.constant dense<0.000000e+00> : vector<2048x256xf32>
    %dot_general3A_34 = tpu.matmul %mul3A_5, %get3A_32, %dot_general3A_33 {dimension_numbers = #tpu.dot_dimension_numbers<[1], [0], [0], [1], [0, 0, 1, 1], [], []>, transpose_lhs_hint = false} : vector<2048x256xf32>, vector<256x256xf32>, vector<2048x256xf32> -> vector<2048x256xf32>
    %get3A_35 = arith.constant 0 : index
    %get3A_36 = arith.constant 256 : index
    %get3A_37 = vector.load %arg4[%get3A_35, %get3A_36] : memref<1x8192xf32, #tpu.memory_space<vmem>>, vector<1x128xf32>
    %add3A_38 = vector.broadcast %get3A_37 : vector<1x128xf32> to vector<2048x128xf32>
    %add3A_39 = arith.addf %broadcast_in_dim3A_9, %add3A_38 : vector<2048x128xf32>
    %slice3A_40 = vector.extract_strided_slice %dot_general3A_34 {offsets = [0, 0], sizes = [2048, 128], strides = [1, 1]} : vector<2048x256xf32> to vector<2048x128xf32>
    %add3A_41 = arith.addf %add3A_39, %slice3A_40 : vector<2048x128xf32>
    %get3A_42 = arith.constant 0 : index
    %get3A_43 = arith.constant 384 : index
    %get3A_44 = vector.load %arg4[%get3A_42, %get3A_43] : memref<1x8192xf32, #tpu.memory_space<vmem>>, vector<1x128xf32>
    %add3A_45 = vector.broadcast %get3A_44 : vector<1x128xf32> to vector<2048x128xf32>
    %add3A_46 = arith.addf %broadcast_in_dim3A_9, %add3A_45 : vector<2048x128xf32>
    %slice3A_47 = vector.extract_strided_slice %dot_general3A_34 {offsets = [0, 128], sizes = [2048, 128], strides = [1, 1]} : vector<2048x256xf32> to vector<2048x128xf32>
    %add3A_48 = arith.addf %add3A_46, %slice3A_47 : vector<2048x128xf32>
    %lt3A_49 = arith.cmpf olt, %add3A_48, %add3A_41 : vector<2048x128xf32>
    %select_n3A_50 = arith.select %lt3A_49, %add3A_48, %add3A_41 : vector<2048x128xi1>, vector<2048x128xf32>
    %jit3A_51 = arith.constant 3 : i32
    %jit3A_52 = arith.constant 2 : i32
    %broadcast_in_dim3A_53 = vector.broadcast %jit3A_51 : i32 to vector<2048x128xi32>
    %broadcast_in_dim3A_54 = vector.broadcast %jit3A_52 : i32 to vector<2048x128xi32>
    %select_n3A_55 = arith.select %lt3A_49, %broadcast_in_dim3A_53, %broadcast_in_dim3A_54 : vector<2048x128xi1>, vector<2048x128xi32>
    %lt3A_56 = arith.cmpf olt, %select_n3A_50, %select_n3A : vector<2048x128xf32>
    %select_n3A_57 = arith.select %lt3A_56, %select_n3A_50, %select_n3A : vector<2048x128xi1>, vector<2048x128xf32>
    %select_n3A_58 = arith.select %lt3A_56, %select_n3A_55, %select_n3A_29 : vector<2048x128xi1>, vector<2048x128xi32>
    %get3A_59 = arith.constant 0 : index
    %get3A_60 = arith.constant 512 : index
    %get3A_61 = vector.load %arg7[%get3A_59, %get3A_60] : memref<256x8192xf32, #tpu.memory_space<vmem>>, vector<256x256xf32>
    %dot_general3A_62 = arith.constant dense<0.000000e+00> : vector<2048x256xf32>
    %dot_general3A_63 = tpu.matmul %mul3A_5, %get3A_61, %dot_general3A_62 {dimension_numbers = #tpu.dot_dimension_numbers<[1], [0], [0], [1], [0, 0, 1, 1], [], []>, transpose_lhs_hint = false} : vector<2048x256xf32>, vector<256x256xf32>, vector<2048x256xf32> -> vector<2048x256xf32>
    %get3A_64 = arith.constant 0 : index
    %get3A_65 = arith.constant 512 : index
    %get3A_66 = vector.load %arg4[%get3A_64, %get3A_65] : memref<1x8192xf32, #tpu.memory_space<vmem>>, vector<1x128xf32>
    %add3A_67 = vector.broadcast %get3A_66 : vector<1x128xf32> to vector<2048x128xf32>
    %add3A_68 = arith.addf %broadcast_in_dim3A_9, %add3A_67 : vector<2048x128xf32>
    %slice3A_69 = vector.extract_strided_slice %dot_general3A_63 {offsets = [0, 0], sizes = [2048, 128], strides = [1, 1]} : vector<2048x256xf32> to vector<2048x128xf32>
    %add3A_70 = arith.addf %add3A_68, %slice3A_69 : vector<2048x128xf32>
    %get3A_71 = arith.constant 0 : index
    %get3A_72 = arith.constant 640 : index
    %get3A_73 = vector.load %arg4[%get3A_71, %get3A_72] : memref<1x8192xf32, #tpu.memory_space<vmem>>, vector<1x128xf32>
    %add3A_74 = vector.broadcast %get3A_73 : vector<1x128xf32> to vector<2048x128xf32>
    %add3A_75 = arith.addf %broadcast_in_dim3A_9, %add3A_74 : vector<2048x128xf32>
    %slice3A_76 = vector.extract_strided_slice %dot_general3A_63 {offsets = [0, 128], sizes = [2048, 128], strides = [1, 1]} : vector<2048x256xf32> to vector<2048x128xf32>
    %add3A_77 = arith.addf %add3A_75, %slice3A_76 : vector<2048x128xf32>
    %lt3A_78 = arith.cmpf olt, %add3A_77, %add3A_70 : vector<2048x128xf32>
    %select_n3A_79 = arith.select %lt3A_78, %add3A_77, %add3A_70 : vector<2048x128xi1>, vector<2048x128xf32>
    %jit3A_80 = arith.constant 5 : i32
    %jit3A_81 = arith.constant 4 : i32
    %broadcast_in_dim3A_82 = vector.broadcast %jit3A_80 : i32 to vector<2048x128xi32>
    %broadcast_in_dim3A_83 = vector.broadcast %jit3A_81 : i32 to vector<2048x128xi32>
    %select_n3A_84 = arith.select %lt3A_78, %broadcast_in_dim3A_82, %broadcast_in_dim3A_83 : vector<2048x128xi1>, vector<2048x128xi32>
    %lt3A_85 = arith.cmpf olt, %select_n3A_79, %select_n3A_57 : vector<2048x128xf32>
    %select_n3A_86 = arith.select %lt3A_85, %select_n3A_79, %select_n3A_57 : vector<2048x128xi1>, vector<2048x128xf32>
    %select_n3A_87 = arith.select %lt3A_85, %select_n3A_84, %select_n3A_58 : vector<2048x128xi1>, vector<2048x128xi32>
    %get3A_88 = arith.constant 0 : index
    %get3A_89 = arith.constant 768 : index
    %get3A_90 = vector.load %arg7[%get3A_88, %get3A_89] : memref<256x8192xf32, #tpu.memory_space<vmem>>, vector<256x256xf32>
    %dot_general3A_91 = arith.constant dense<0.000000e+00> : vector<2048x256xf32>
    %dot_general3A_92 = tpu.matmul %mul3A_5, %get3A_90, %dot_general3A_91 {dimension_numbers = #tpu.dot_dimension_numbers<[1], [0], [0], [1], [0, 0, 1, 1], [], []>, transpose_lhs_hint = false} : vector<2048x256xf32>, vector<256x256xf32>, vector<2048x256xf32> -> vector<2048x256xf32>
    %get3A_93 = arith.constant 0 : index
    %get3A_94 = arith.constant 768 : index
    %get3A_95 = vector.load %arg4[%get3A_93, %get3A_94] : memref<1x8192xf32, #tpu.memory_space<vmem>>, vector<1x128xf32>
    %add3A_96 = vector.broadcast %get3A_95 : vector<1x128xf32> to vector<2048x128xf32>
    %add3A_97 = arith.addf %broadcast_in_dim3A_9, %add3A_96 : vector<2048x128xf32>
    %slice3A_98 = vector.extract_strided_slice %dot_general3A_92 {offsets = [0, 0], sizes = [2048, 128], strides = [1, 1]} : vector<2048x256xf32> to vector<2048x128xf32>
    %add3A_99 = arith.addf %add3A_97, %slice3A_98 : vector<2048x128xf32>
    %get3A_100 = arith.constant 0 : index
    %get3A_101 = arith.constant 896 : index
    %get3A_102 = vector.load %arg4[%get3A_100, %get3A_101] : memref<1x8192xf32, #tpu.memory_space<vmem>>, vector<1x128xf32>
    %add3A_103 = vector.broadcast %get3A_102 : vector<1x128xf32> to vector<2048x128xf32>
    %add3A_104 = arith.addf %broadcast_in_dim3A_9, %add3A_103 : vector<2048x128xf32>
    %slice3A_105 = vector.extract_strided_slice %dot_general3A_92 {offsets = [0, 128], sizes = [2048, 128], strides = [1, 1]} : vector<2048x256xf32> to vector<2048x128xf32>
    %add3A_106 = arith.addf %add3A_104, %slice3A_105 : vector<2048x128xf32>
    %lt3A_107 = arith.cmpf olt, %add3A_106, %add3A_99 : vector<2048x128xf32>
    %select_n3A_108 = arith.select %lt3A_107, %add3A_106, %add3A_99 : vector<2048x128xi1>, vector<2048x128xf32>
    %jit3A_109 = arith.constant 7 : i32
    %jit3A_110 = arith.constant 6 : i32
    %broadcast_in_dim3A_111 = vector.broadcast %jit3A_109 : i32 to vector<2048x128xi32>
    %broadcast_in_dim3A_112 = vector.broadcast %jit3A_110 : i32 to vector<2048x128xi32>
    %select_n3A_113 = arith.select %lt3A_107, %broadcast_in_dim3A_111, %broadcast_in_dim3A_112 : vector<2048x128xi1>, vector<2048x128xi32>
    %lt3A_114 = arith.cmpf olt, %select_n3A_108, %select_n3A_86 : vector<2048x128xf32>
    %select_n3A_115 = arith.select %lt3A_114, %select_n3A_108, %select_n3A_86 : vector<2048x128xi1>, vector<2048x128xf32>
    %select_n3A_116 = arith.select %lt3A_114, %select_n3A_113, %select_n3A_87 : vector<2048x128xi1>, vector<2048x128xi32>
    %get3A_117 = arith.constant 0 : index
    %get3A_118 = arith.constant 1024 : index
    %get3A_119 = vector.load %arg7[%get3A_117, %get3A_118] : memref<256x8192xf32, #tpu.memory_space<vmem>>, vector<256x256xf32>
    %dot_general3A_120 = arith.constant dense<0.000000e+00> : vector<2048x256xf32>
    %dot_general3A_121 = tpu.matmul %mul3A_5, %get3A_119, %dot_general3A_120 {dimension_numbers = #tpu.dot_dimension_numbers<[1], [0], [0], [1], [0, 0, 1, 1], [], []>, transpose_lhs_hint = false} : vector<2048x256xf32>, vector<256x256xf32>, vector<2048x256xf32> -> vector<2048x256xf32>
    %get3A_122 = arith.constant 0 : index
    %get3A_123 = arith.constant 1024 : index
    %get3A_124 = vector.load %arg4[%get3A_122, %get3A_123] : memref<1x8192xf32, #tpu.memory_space<vmem>>, vector<1x128xf32>
    %add3A_125 = vector.broadcast %get3A_124 : vector<1x128xf32> to vector<2048x128xf32>
    %add3A_126 = arith.addf %broadcast_in_dim3A_9, %add3A_125 : vector<2048x128xf32>
    %slice3A_127 = vector.extract_strided_slice %dot_general3A_121 {offsets = [0, 0], sizes = [2048, 128], strides = [1, 1]} : vector<2048x256xf32> to vector<2048x128xf32>
    %add3A_128 = arith.addf %add3A_126, %slice3A_127 : vector<2048x128xf32>
    %get3A_129 = arith.constant 0 : index
    %get3A_130 = arith.constant 1152 : index
    %get3A_131 = vector.load %arg4[%get3A_129, %get3A_130] : memref<1x8192xf32, #tpu.memory_space<vmem>>, vector<1x128xf32>
    %add3A_132 = vector.broadcast %get3A_131 : vector<1x128xf32> to vector<2048x128xf32>
    %add3A_133 = arith.addf %broadcast_in_dim3A_9, %add3A_132 : vector<2048x128xf32>
    %slice3A_134 = vector.extract_strided_slice %dot_general3A_121 {offsets = [0, 128], sizes = [2048, 128], strides = [1, 1]} : vector<2048x256xf32> to vector<2048x128xf32>
    %add3A_135 = arith.addf %add3A_133, %slice3A_134 : vector<2048x128xf32>
    %lt3A_136 = arith.cmpf olt, %add3A_135, %add3A_128 : vector<2048x128xf32>
    %select_n3A_137 = arith.select %lt3A_136, %add3A_135, %add3A_128 : vector<2048x128xi1>, vector<2048x128xf32>
    %jit3A_138 = arith.constant 9 : i32
    %jit3A_139 = arith.constant 8 : i32
    %broadcast_in_dim3A_140 = vector.broadcast %jit3A_138 : i32 to vector<2048x128xi32>
    %broadcast_in_dim3A_141 = vector.broadcast %jit3A_139 : i32 to vector<2048x128xi32>
    %select_n3A_142 = arith.select %lt3A_136, %broadcast_in_dim3A_140, %broadcast_in_dim3A_141 : vector<2048x128xi1>, vector<2048x128xi32>
    %lt3A_143 = arith.cmpf olt, %select_n3A_137, %select_n3A_115 : vector<2048x128xf32>
    %select_n3A_144 = arith.select %lt3A_143, %select_n3A_137, %select_n3A_115 : vector<2048x128xi1>, vector<2048x128xf32>
    %select_n3A_145 = arith.select %lt3A_143, %select_n3A_142, %select_n3A_116 : vector<2048x128xi1>, vector<2048x128xi32>
    %get3A_146 = arith.constant 0 : index
    %get3A_147 = arith.constant 1280 : index
    %get3A_148 = vector.load %arg7[%get3A_146, %get3A_147] : memref<256x8192xf32, #tpu.memory_space<vmem>>, vector<256x256xf32>
    %dot_general3A_149 = arith.constant dense<0.000000e+00> : vector<2048x256xf32>
    %dot_general3A_150 = tpu.matmul %mul3A_5, %get3A_148, %dot_general3A_149 {dimension_numbers = #tpu.dot_dimension_numbers<[1], [0], [0], [1], [0, 0, 1, 1], [], []>, transpose_lhs_hint = false} : vector<2048x256xf32>, vector<256x256xf32>, vector<2048x256xf32> -> vector<2048x256xf32>
    %get3A_151 = arith.constant 0 : index
    %get3A_152 = arith.constant 1280 : index
    %get3A_153 = vector.load %arg4[%get3A_151, %get3A_152] : memref<1x8192xf32, #tpu.memory_space<vmem>>, vector<1x128xf32>
    %add3A_154 = vector.broadcast %get3A_153 : vector<1x128xf32> to vector<2048x128xf32>
    %add3A_155 = arith.addf %broadcast_in_dim3A_9, %add3A_154 : vector<2048x128xf32>
    %slice3A_156 = vector.extract_strided_slice %dot_general3A_150 {offsets = [0, 0], sizes = [2048, 128], strides = [1, 1]} : vector<2048x256xf32> to vector<2048x128xf32>
    %add3A_157 = arith.addf %add3A_155, %slice3A_156 : vector<2048x128xf32>
    %get3A_158 = arith.constant 0 : index
    %get3A_159 = arith.constant 1408 : index
    %get3A_160 = vector.load %arg4[%get3A_158, %get3A_159] : memref<1x8192xf32, #tpu.memory_space<vmem>>, vector<1x128xf32>
    %add3A_161 = vector.broadcast %get3A_160 : vector<1x128xf32> to vector<2048x128xf32>
    %add3A_162 = arith.addf %broadcast_in_dim3A_9, %add3A_161 : vector<2048x128xf32>
    %slice3A_163 = vector.extract_strided_slice %dot_general3A_150 {offsets = [0, 128], sizes = [2048, 128], strides = [1, 1]} : vector<2048x256xf32> to vector<2048x128xf32>
    %add3A_164 = arith.addf %add3A_162, %slice3A_163 : vector<2048x128xf32>
    %lt3A_165 = arith.cmpf olt, %add3A_164, %add3A_157 : vector<2048x128xf32>
    %select_n3A_166 = arith.select %lt3A_165, %add3A_164, %add3A_157 : vector<2048x128xi1>, vector<2048x128xf32>
    %jit3A_167 = arith.constant 11 : i32
    %jit3A_168 = arith.constant 10 : i32
    %broadcast_in_dim3A_169 = vector.broadcast %jit3A_167 : i32 to vector<2048x128xi32>
    %broadcast_in_dim3A_170 = vector.broadcast %jit3A_168 : i32 to vector<2048x128xi32>
    %select_n3A_171 = arith.select %lt3A_165, %broadcast_in_dim3A_169, %broadcast_in_dim3A_170 : vector<2048x128xi1>, vector<2048x128xi32>
    %lt3A_172 = arith.cmpf olt, %select_n3A_166, %select_n3A_144 : vector<2048x128xf32>
    %select_n3A_173 = arith.select %lt3A_172, %select_n3A_166, %select_n3A_144 : vector<2048x128xi1>, vector<2048x128xf32>
    %select_n3A_174 = arith.select %lt3A_172, %select_n3A_171, %select_n3A_145 : vector<2048x128xi1>, vector<2048x128xi32>
    %get3A_175 = arith.constant 0 : index
    %get3A_176 = arith.constant 1536 : index
    %get3A_177 = vector.load %arg7[%get3A_175, %get3A_176] : memref<256x8192xf32, #tpu.memory_space<vmem>>, vector<256x256xf32>
    %dot_general3A_178 = arith.constant dense<0.000000e+00> : vector<2048x256xf32>
    %dot_general3A_179 = tpu.matmul %mul3A_5, %get3A_177, %dot_general3A_178 {dimension_numbers = #tpu.dot_dimension_numbers<[1], [0], [0], [1], [0, 0, 1, 1], [], []>, transpose_lhs_hint = false} : vector<2048x256xf32>, vector<256x256xf32>, vector<2048x256xf32> -> vector<2048x256xf32>
    %get3A_180 = arith.constant 0 : index
    %get3A_181 = arith.constant 1536 : index
    %get3A_182 = vector.load %arg4[%get3A_180, %get3A_181] : memref<1x8192xf32, #tpu.memory_space<vmem>>, vector<1x128xf32>
    %add3A_183 = vector.broadcast %get3A_182 : vector<1x128xf32> to vector<2048x128xf32>
    %add3A_184 = arith.addf %broadcast_in_dim3A_9, %add3A_183 : vector<2048x128xf32>
    %slice3A_185 = vector.extract_strided_slice %dot_general3A_179 {offsets = [0, 0], sizes = [2048, 128], strides = [1, 1]} : vector<2048x256xf32> to vector<2048x128xf32>
    %add3A_186 = arith.addf %add3A_184, %slice3A_185 : vector<2048x128xf32>
    %get3A_187 = arith.constant 0 : index
    %get3A_188 = arith.constant 1664 : index
    %get3A_189 = vector.load %arg4[%get3A_187, %get3A_188] : memref<1x8192xf32, #tpu.memory_space<vmem>>, vector<1x128xf32>
    %add3A_190 = vector.broadcast %get3A_189 : vector<1x128xf32> to vector<2048x128xf32>
    %add3A_191 = arith.addf %broadcast_in_dim3A_9, %add3A_190 : vector<2048x128xf32>
    %slice3A_192 = vector.extract_strided_slice %dot_general3A_179 {offsets = [0, 128], sizes = [2048, 128], strides = [1, 1]} : vector<2048x256xf32> to vector<2048x128xf32>
    %add3A_193 = arith.addf %add3A_191, %slice3A_192 : vector<2048x128xf32>
    %lt3A_194 = arith.cmpf olt, %add3A_193, %add3A_186 : vector<2048x128xf32>
    %select_n3A_195 = arith.select %lt3A_194, %add3A_193, %add3A_186 : vector<2048x128xi1>, vector<2048x128xf32>
    %jit3A_196 = arith.constant 13 : i32
    %jit3A_197 = arith.constant 12 : i32
    %broadcast_in_dim3A_198 = vector.broadcast %jit3A_196 : i32 to vector<2048x128xi32>
    %broadcast_in_dim3A_199 = vector.broadcast %jit3A_197 : i32 to vector<2048x128xi32>
    %select_n3A_200 = arith.select %lt3A_194, %broadcast_in_dim3A_198, %broadcast_in_dim3A_199 : vector<2048x128xi1>, vector<2048x128xi32>
    %lt3A_201 = arith.cmpf olt, %select_n3A_195, %select_n3A_173 : vector<2048x128xf32>
    %select_n3A_202 = arith.select %lt3A_201, %select_n3A_195, %select_n3A_173 : vector<2048x128xi1>, vector<2048x128xf32>
    %select_n3A_203 = arith.select %lt3A_201, %select_n3A_200, %select_n3A_174 : vector<2048x128xi1>, vector<2048x128xi32>
    %get3A_204 = arith.constant 0 : index
    %get3A_205 = arith.constant 1792 : index
    %get3A_206 = vector.load %arg7[%get3A_204, %get3A_205] : memref<256x8192xf32, #tpu.memory_space<vmem>>, vector<256x256xf32>
    %dot_general3A_207 = arith.constant dense<0.000000e+00> : vector<2048x256xf32>
    %dot_general3A_208 = tpu.matmul %mul3A_5, %get3A_206, %dot_general3A_207 {dimension_numbers = #tpu.dot_dimension_numbers<[1], [0], [0], [1], [0, 0, 1, 1], [], []>, transpose_lhs_hint = false} : vector<2048x256xf32>, vector<256x256xf32>, vector<2048x256xf32> -> vector<2048x256xf32>
    %get3A_209 = arith.constant 0 : index
    %get3A_210 = arith.constant 1792 : index
    %get3A_211 = vector.load %arg4[%get3A_209, %get3A_210] : memref<1x8192xf32, #tpu.memory_space<vmem>>, vector<1x128xf32>
    %add3A_212 = vector.broadcast %get3A_211 : vector<1x128xf32> to vector<2048x128xf32>
    %add3A_213 = arith.addf %broadcast_in_dim3A_9, %add3A_212 : vector<2048x128xf32>
    %slice3A_214 = vector.extract_strided_slice %dot_general3A_208 {offsets = [0, 0], sizes = [2048, 128], strides = [1, 1]} : vector<2048x256xf32> to vector<2048x128xf32>
    %add3A_215 = arith.addf %add3A_213, %slice3A_214 : vector<2048x128xf32>
    %get3A_216 = arith.constant 0 : index
    %get3A_217 = arith.constant 1920 : index
    %get3A_218 = vector.load %arg4[%get3A_216, %get3A_217] : memref<1x8192xf32, #tpu.memory_space<vmem>>, vector<1x128xf32>
    %add3A_219 = vector.broadcast %get3A_218 : vector<1x128xf32> to vector<2048x128xf32>
    %add3A_220 = arith.addf %broadcast_in_dim3A_9, %add3A_219 : vector<2048x128xf32>
    %slice3A_221 = vector.extract_strided_slice %dot_general3A_208 {offsets = [0, 128], sizes = [2048, 128], strides = [1, 1]} : vector<2048x256xf32> to vector<2048x128xf32>
    %add3A_222 = arith.addf %add3A_220, %slice3A_221 : vector<2048x128xf32>
    %lt3A_223 = arith.cmpf olt, %add3A_222, %add3A_215 : vector<2048x128xf32>
    %select_n3A_224 = arith.select %lt3A_223, %add3A_222, %add3A_215 : vector<2048x128xi1>, vector<2048x128xf32>
    %jit3A_225 = arith.constant 15 : i32
    %jit3A_226 = arith.constant 14 : i32
    %broadcast_in_dim3A_227 = vector.broadcast %jit3A_225 : i32 to vector<2048x128xi32>
    %broadcast_in_dim3A_228 = vector.broadcast %jit3A_226 : i32 to vector<2048x128xi32>
    %select_n3A_229 = arith.select %lt3A_223, %broadcast_in_dim3A_227, %broadcast_in_dim3A_228 : vector<2048x128xi1>, vector<2048x128xi32>
    %lt3A_230 = arith.cmpf olt, %select_n3A_224, %select_n3A_202 : vector<2048x128xf32>
    %select_n3A_231 = arith.select %lt3A_230, %select_n3A_224, %select_n3A_202 : vector<2048x128xi1>, vector<2048x128xf32>
    %select_n3A_232 = arith.select %lt3A_230, %select_n3A_229, %select_n3A_203 : vector<2048x128xi1>, vector<2048x128xi32>
    %get3A_233 = arith.constant 0 : index
    %get3A_234 = arith.constant 2048 : index
    %get3A_235 = vector.load %arg7[%get3A_233, %get3A_234] : memref<256x8192xf32, #tpu.memory_space<vmem>>, vector<256x256xf32>
    %dot_general3A_236 = arith.constant dense<0.000000e+00> : vector<2048x256xf32>
    %dot_general3A_237 = tpu.matmul %mul3A_5, %get3A_235, %dot_general3A_236 {dimension_numbers = #tpu.dot_dimension_numbers<[1], [0], [0], [1], [0, 0, 1, 1], [], []>, transpose_lhs_hint = false} : vector<2048x256xf32>, vector<256x256xf32>, vector<2048x256xf32> -> vector<2048x256xf32>
    %get3A_238 = arith.constant 0 : index
    %get3A_239 = arith.constant 2048 : index
    %get3A_240 = vector.load %arg4[%get3A_238, %get3A_239] : memref<1x8192xf32, #tpu.memory_space<vmem>>, vector<1x128xf32>
    %add3A_241 = vector.broadcast %get3A_240 : vector<1x128xf32> to vector<2048x128xf32>
    %add3A_242 = arith.addf %broadcast_in_dim3A_9, %add3A_241 : vector<2048x128xf32>
    %slice3A_243 = vector.extract_strided_slice %dot_general3A_237 {offsets = [0, 0], sizes = [2048, 128], strides = [1, 1]} : vector<2048x256xf32> to vector<2048x128xf32>
    %add3A_244 = arith.addf %add3A_242, %slice3A_243 : vector<2048x128xf32>
    %get3A_245 = arith.constant 0 : index
    %get3A_246 = arith.constant 2176 : index
    %get3A_247 = vector.load %arg4[%get3A_245, %get3A_246] : memref<1x8192xf32, #tpu.memory_space<vmem>>, vector<1x128xf32>
    %add3A_248 = vector.broadcast %get3A_247 : vector<1x128xf32> to vector<2048x128xf32>
    %add3A_249 = arith.addf %broadcast_in_dim3A_9, %add3A_248 : vector<2048x128xf32>
    %slice3A_250 = vector.extract_strided_slice %dot_general3A_237 {offsets = [0, 128], sizes = [2048, 128], strides = [1, 1]} : vector<2048x256xf32> to vector<2048x128xf32>
    %add3A_251 = arith.addf %add3A_249, %slice3A_250 : vector<2048x128xf32>
    %lt3A_252 = arith.cmpf olt, %add3A_251, %add3A_244 : vector<2048x128xf32>
    %select_n3A_253 = arith.select %lt3A_252, %add3A_251, %add3A_244 : vector<2048x128xi1>, vector<2048x128xf32>
    %jit3A_254 = arith.constant 17 : i32
    %jit3A_255 = arith.constant 16 : i32
    %broadcast_in_dim3A_256 = vector.broadcast %jit3A_254 : i32 to vector<2048x128xi32>
    %broadcast_in_dim3A_257 = vector.broadcast %jit3A_255 : i32 to vector<2048x128xi32>
    %select_n3A_258 = arith.select %lt3A_252, %broadcast_in_dim3A_256, %broadcast_in_dim3A_257 : vector<2048x128xi1>, vector<2048x128xi32>
    %lt3A_259 = arith.cmpf olt, %select_n3A_253, %select_n3A_231 : vector<2048x128xf32>
    %select_n3A_260 = arith.select %lt3A_259, %select_n3A_253, %select_n3A_231 : vector<2048x128xi1>, vector<2048x128xf32>
    %select_n3A_261 = arith.select %lt3A_259, %select_n3A_258, %select_n3A_232 : vector<2048x128xi1>, vector<2048x128xi32>
    %get3A_262 = arith.constant 0 : index
    %get3A_263 = arith.constant 2304 : index
    %get3A_264 = vector.load %arg7[%get3A_262, %get3A_263] : memref<256x8192xf32, #tpu.memory_space<vmem>>, vector<256x256xf32>
    %dot_general3A_265 = arith.constant dense<0.000000e+00> : vector<2048x256xf32>
    %dot_general3A_266 = tpu.matmul %mul3A_5, %get3A_264, %dot_general3A_265 {dimension_numbers = #tpu.dot_dimension_numbers<[1], [0], [0], [1], [0, 0, 1, 1], [], []>, transpose_lhs_hint = false} : vector<2048x256xf32>, vector<256x256xf32>, vector<2048x256xf32> -> vector<2048x256xf32>
    %get3A_267 = arith.constant 0 : index
    %get3A_268 = arith.constant 2304 : index
    %get3A_269 = vector.load %arg4[%get3A_267, %get3A_268] : memref<1x8192xf32, #tpu.memory_space<vmem>>, vector<1x128xf32>
    %add3A_270 = vector.broadcast %get3A_269 : vector<1x128xf32> to vector<2048x128xf32>
    %add3A_271 = arith.addf %broadcast_in_dim3A_9, %add3A_270 : vector<2048x128xf32>
    %slice3A_272 = vector.extract_strided_slice %dot_general3A_266 {offsets = [0, 0], sizes = [2048, 128], strides = [1, 1]} : vector<2048x256xf32> to vector<2048x128xf32>
    %add3A_273 = arith.addf %add3A_271, %slice3A_272 : vector<2048x128xf32>
    %get3A_274 = arith.constant 0 : index
    %get3A_275 = arith.constant 2432 : index
    %get3A_276 = vector.load %arg4[%get3A_274, %get3A_275] : memref<1x8192xf32, #tpu.memory_space<vmem>>, vector<1x128xf32>
    %add3A_277 = vector.broadcast %get3A_276 : vector<1x128xf32> to vector<2048x128xf32>
    %add3A_278 = arith.addf %broadcast_in_dim3A_9, %add3A_277 : vector<2048x128xf32>
    %slice3A_279 = vector.extract_strided_slice %dot_general3A_266 {offsets = [0, 128], sizes = [2048, 128], strides = [1, 1]} : vector<2048x256xf32> to vector<2048x128xf32>
    %add3A_280 = arith.addf %add3A_278, %slice3A_279 : vector<2048x128xf32>
    %lt3A_281 = arith.cmpf olt, %add3A_280, %add3A_273 : vector<2048x128xf32>
    %select_n3A_282 = arith.select %lt3A_281, %add3A_280, %add3A_273 : vector<2048x128xi1>, vector<2048x128xf32>
    %jit3A_283 = arith.constant 19 : i32
    %jit3A_284 = arith.constant 18 : i32
    %broadcast_in_dim3A_285 = vector.broadcast %jit3A_283 : i32 to vector<2048x128xi32>
    %broadcast_in_dim3A_286 = vector.broadcast %jit3A_284 : i32 to vector<2048x128xi32>
    %select_n3A_287 = arith.select %lt3A_281, %broadcast_in_dim3A_285, %broadcast_in_dim3A_286 : vector<2048x128xi1>, vector<2048x128xi32>
    %lt3A_288 = arith.cmpf olt, %select_n3A_282, %select_n3A_260 : vector<2048x128xf32>
    %select_n3A_289 = arith.select %lt3A_288, %select_n3A_282, %select_n3A_260 : vector<2048x128xi1>, vector<2048x128xf32>
    %select_n3A_290 = arith.select %lt3A_288, %select_n3A_287, %select_n3A_261 : vector<2048x128xi1>, vector<2048x128xi32>
    %get3A_291 = arith.constant 0 : index
    %get3A_292 = arith.constant 2560 : index
    %get3A_293 = vector.load %arg7[%get3A_291, %get3A_292] : memref<256x8192xf32, #tpu.memory_space<vmem>>, vector<256x256xf32>
    %dot_general3A_294 = arith.constant dense<0.000000e+00> : vector<2048x256xf32>
    %dot_general3A_295 = tpu.matmul %mul3A_5, %get3A_293, %dot_general3A_294 {dimension_numbers = #tpu.dot_dimension_numbers<[1], [0], [0], [1], [0, 0, 1, 1], [], []>, transpose_lhs_hint = false} : vector<2048x256xf32>, vector<256x256xf32>, vector<2048x256xf32> -> vector<2048x256xf32>
    %get3A_296 = arith.constant 0 : index
    %get3A_297 = arith.constant 2560 : index
    %get3A_298 = vector.load %arg4[%get3A_296, %get3A_297] : memref<1x8192xf32, #tpu.memory_space<vmem>>, vector<1x128xf32>
    %add3A_299 = vector.broadcast %get3A_298 : vector<1x128xf32> to vector<2048x128xf32>
    %add3A_300 = arith.addf %broadcast_in_dim3A_9, %add3A_299 : vector<2048x128xf32>
    %slice3A_301 = vector.extract_strided_slice %dot_general3A_295 {offsets = [0, 0], sizes = [2048, 128], strides = [1, 1]} : vector<2048x256xf32> to vector<2048x128xf32>
    %add3A_302 = arith.addf %add3A_300, %slice3A_301 : vector<2048x128xf32>
    %get3A_303 = arith.constant 0 : index
    %get3A_304 = arith.constant 2688 : index
    %get3A_305 = vector.load %arg4[%get3A_303, %get3A_304] : memref<1x8192xf32, #tpu.memory_space<vmem>>, vector<1x128xf32>
    %add3A_306 = vector.broadcast %get3A_305 : vector<1x128xf32> to vector<2048x128xf32>
    %add3A_307 = arith.addf %broadcast_in_dim3A_9, %add3A_306 : vector<2048x128xf32>
    %slice3A_308 = vector.extract_strided_slice %dot_general3A_295 {offsets = [0, 128], sizes = [2048, 128], strides = [1, 1]} : vector<2048x256xf32> to vector<2048x128xf32>
    %add3A_309 = arith.addf %add3A_307, %slice3A_308 : vector<2048x128xf32>
    %lt3A_310 = arith.cmpf olt, %add3A_309, %add3A_302 : vector<2048x128xf32>
    %select_n3A_311 = arith.select %lt3A_310, %add3A_309, %add3A_302 : vector<2048x128xi1>, vector<2048x128xf32>
    %jit3A_312 = arith.constant 21 : i32
    %jit3A_313 = arith.constant 20 : i32
    %broadcast_in_dim3A_314 = vector.broadcast %jit3A_312 : i32 to vector<2048x128xi32>
    %broadcast_in_dim3A_315 = vector.broadcast %jit3A_313 : i32 to vector<2048x128xi32>
    %select_n3A_316 = arith.select %lt3A_310, %broadcast_in_dim3A_314, %broadcast_in_dim3A_315 : vector<2048x128xi1>, vector<2048x128xi32>
    %lt3A_317 = arith.cmpf olt, %select_n3A_311, %select_n3A_289 : vector<2048x128xf32>
    %select_n3A_318 = arith.select %lt3A_317, %select_n3A_311, %select_n3A_289 : vector<2048x128xi1>, vector<2048x128xf32>
    %select_n3A_319 = arith.select %lt3A_317, %select_n3A_316, %select_n3A_290 : vector<2048x128xi1>, vector<2048x128xi32>
    %get3A_320 = arith.constant 0 : index
    %get3A_321 = arith.constant 2816 : index
    %get3A_322 = vector.load %arg7[%get3A_320, %get3A_321] : memref<256x8192xf32, #tpu.memory_space<vmem>>, vector<256x256xf32>
    %dot_general3A_323 = arith.constant dense<0.000000e+00> : vector<2048x256xf32>
    %dot_general3A_324 = tpu.matmul %mul3A_5, %get3A_322, %dot_general3A_323 {dimension_numbers = #tpu.dot_dimension_numbers<[1], [0], [0], [1], [0, 0, 1, 1], [], []>, transpose_lhs_hint = false} : vector<2048x256xf32>, vector<256x256xf32>, vector<2048x256xf32> -> vector<2048x256xf32>
    %get3A_325 = arith.constant 0 : index
    %get3A_326 = arith.constant 2816 : index
    %get3A_327 = vector.load %arg4[%get3A_325, %get3A_326] : memref<1x8192xf32, #tpu.memory_space<vmem>>, vector<1x128xf32>
    %add3A_328 = vector.broadcast %get3A_327 : vector<1x128xf32> to vector<2048x128xf32>
    %add3A_329 = arith.addf %broadcast_in_dim3A_9, %add3A_328 : vector<2048x128xf32>
    %slice3A_330 = vector.extract_strided_slice %dot_general3A_324 {offsets = [0, 0], sizes = [2048, 128], strides = [1, 1]} : vector<2048x256xf32> to vector<2048x128xf32>
    %add3A_331 = arith.addf %add3A_329, %slice3A_330 : vector<2048x128xf32>
    %get3A_332 = arith.constant 0 : index
    %get3A_333 = arith.constant 2944 : index
    %get3A_334 = vector.load %arg4[%get3A_332, %get3A_333] : memref<1x8192xf32, #tpu.memory_space<vmem>>, vector<1x128xf32>
    %add3A_335 = vector.broadcast %get3A_334 : vector<1x128xf32> to vector<2048x128xf32>
    %add3A_336 = arith.addf %broadcast_in_dim3A_9, %add3A_335 : vector<2048x128xf32>
    %slice3A_337 = vector.extract_strided_slice %dot_general3A_324 {offsets = [0, 128], sizes = [2048, 128], strides = [1, 1]} : vector<2048x256xf32> to vector<2048x128xf32>
    %add3A_338 = arith.addf %add3A_336, %slice3A_337 : vector<2048x128xf32>
    %lt3A_339 = arith.cmpf olt, %add3A_338, %add3A_331 : vector<2048x128xf32>
    %select_n3A_340 = arith.select %lt3A_339, %add3A_338, %add3A_331 : vector<2048x128xi1>, vector<2048x128xf32>
    %jit3A_341 = arith.constant 23 : i32
    %jit3A_342 = arith.constant 22 : i32
    %broadcast_in_dim3A_343 = vector.broadcast %jit3A_341 : i32 to vector<2048x128xi32>
    %broadcast_in_dim3A_344 = vector.broadcast %jit3A_342 : i32 to vector<2048x128xi32>
    %select_n3A_345 = arith.select %lt3A_339, %broadcast_in_dim3A_343, %broadcast_in_dim3A_344 : vector<2048x128xi1>, vector<2048x128xi32>
    %lt3A_346 = arith.cmpf olt, %select_n3A_340, %select_n3A_318 : vector<2048x128xf32>
    %select_n3A_347 = arith.select %lt3A_346, %select_n3A_340, %select_n3A_318 : vector<2048x128xi1>, vector<2048x128xf32>
    %select_n3A_348 = arith.select %lt3A_346, %select_n3A_345, %select_n3A_319 : vector<2048x128xi1>, vector<2048x128xi32>
    %get3A_349 = arith.constant 0 : index
    %get3A_350 = arith.constant 3072 : index
    %get3A_351 = vector.load %arg7[%get3A_349, %get3A_350] : memref<256x8192xf32, #tpu.memory_space<vmem>>, vector<256x256xf32>
    %dot_general3A_352 = arith.constant dense<0.000000e+00> : vector<2048x256xf32>
    %dot_general3A_353 = tpu.matmul %mul3A_5, %get3A_351, %dot_general3A_352 {dimension_numbers = #tpu.dot_dimension_numbers<[1], [0], [0], [1], [0, 0, 1, 1], [], []>, transpose_lhs_hint = false} : vector<2048x256xf32>, vector<256x256xf32>, vector<2048x256xf32> -> vector<2048x256xf32>
    %get3A_354 = arith.constant 0 : index
    %get3A_355 = arith.constant 3072 : index
    %get3A_356 = vector.load %arg4[%get3A_354, %get3A_355] : memref<1x8192xf32, #tpu.memory_space<vmem>>, vector<1x128xf32>
    %add3A_357 = vector.broadcast %get3A_356 : vector<1x128xf32> to vector<2048x128xf32>
    %add3A_358 = arith.addf %broadcast_in_dim3A_9, %add3A_357 : vector<2048x128xf32>
    %slice3A_359 = vector.extract_strided_slice %dot_general3A_353 {offsets = [0, 0], sizes = [2048, 128], strides = [1, 1]} : vector<2048x256xf32> to vector<2048x128xf32>
    %add3A_360 = arith.addf %add3A_358, %slice3A_359 : vector<2048x128xf32>
    %get3A_361 = arith.constant 0 : index
    %get3A_362 = arith.constant 3200 : index
    %get3A_363 = vector.load %arg4[%get3A_361, %get3A_362] : memref<1x8192xf32, #tpu.memory_space<vmem>>, vector<1x128xf32>
    %add3A_364 = vector.broadcast %get3A_363 : vector<1x128xf32> to vector<2048x128xf32>
    %add3A_365 = arith.addf %broadcast_in_dim3A_9, %add3A_364 : vector<2048x128xf32>
    %slice3A_366 = vector.extract_strided_slice %dot_general3A_353 {offsets = [0, 128], sizes = [2048, 128], strides = [1, 1]} : vector<2048x256xf32> to vector<2048x128xf32>
    %add3A_367 = arith.addf %add3A_365, %slice3A_366 : vector<2048x128xf32>
    %lt3A_368 = arith.cmpf olt, %add3A_367, %add3A_360 : vector<2048x128xf32>
    %select_n3A_369 = arith.select %lt3A_368, %add3A_367, %add3A_360 : vector<2048x128xi1>, vector<2048x128xf32>
    %jit3A_370 = arith.constant 25 : i32
    %jit3A_371 = arith.constant 24 : i32
    %broadcast_in_dim3A_372 = vector.broadcast %jit3A_370 : i32 to vector<2048x128xi32>
    %broadcast_in_dim3A_373 = vector.broadcast %jit3A_371 : i32 to vector<2048x128xi32>
    %select_n3A_374 = arith.select %lt3A_368, %broadcast_in_dim3A_372, %broadcast_in_dim3A_373 : vector<2048x128xi1>, vector<2048x128xi32>
    %lt3A_375 = arith.cmpf olt, %select_n3A_369, %select_n3A_347 : vector<2048x128xf32>
    %select_n3A_376 = arith.select %lt3A_375, %select_n3A_369, %select_n3A_347 : vector<2048x128xi1>, vector<2048x128xf32>
    %select_n3A_377 = arith.select %lt3A_375, %select_n3A_374, %select_n3A_348 : vector<2048x128xi1>, vector<2048x128xi32>
    %get3A_378 = arith.constant 0 : index
    %get3A_379 = arith.constant 3328 : index
    %get3A_380 = vector.load %arg7[%get3A_378, %get3A_379] : memref<256x8192xf32, #tpu.memory_space<vmem>>, vector<256x256xf32>
    %dot_general3A_381 = arith.constant dense<0.000000e+00> : vector<2048x256xf32>
    %dot_general3A_382 = tpu.matmul %mul3A_5, %get3A_380, %dot_general3A_381 {dimension_numbers = #tpu.dot_dimension_numbers<[1], [0], [0], [1], [0, 0, 1, 1], [], []>, transpose_lhs_hint = false} : vector<2048x256xf32>, vector<256x256xf32>, vector<2048x256xf32> -> vector<2048x256xf32>
    %get3A_383 = arith.constant 0 : index
    %get3A_384 = arith.constant 3328 : index
    %get3A_385 = vector.load %arg4[%get3A_383, %get3A_384] : memref<1x8192xf32, #tpu.memory_space<vmem>>, vector<1x128xf32>
    %add3A_386 = vector.broadcast %get3A_385 : vector<1x128xf32> to vector<2048x128xf32>
    %add3A_387 = arith.addf %broadcast_in_dim3A_9, %add3A_386 : vector<2048x128xf32>
    %slice3A_388 = vector.extract_strided_slice %dot_general3A_382 {offsets = [0, 0], sizes = [2048, 128], strides = [1, 1]} : vector<2048x256xf32> to vector<2048x128xf32>
    %add3A_389 = arith.addf %add3A_387, %slice3A_388 : vector<2048x128xf32>
    %get3A_390 = arith.constant 0 : index
    %get3A_391 = arith.constant 3456 : index
    %get3A_392 = vector.load %arg4[%get3A_390, %get3A_391] : memref<1x8192xf32, #tpu.memory_space<vmem>>, vector<1x128xf32>
    %add3A_393 = vector.broadcast %get3A_392 : vector<1x128xf32> to vector<2048x128xf32>
    %add3A_394 = arith.addf %broadcast_in_dim3A_9, %add3A_393 : vector<2048x128xf32>
    %slice3A_395 = vector.extract_strided_slice %dot_general3A_382 {offsets = [0, 128], sizes = [2048, 128], strides = [1, 1]} : vector<2048x256xf32> to vector<2048x128xf32>
    %add3A_396 = arith.addf %add3A_394, %slice3A_395 : vector<2048x128xf32>
    %lt3A_397 = arith.cmpf olt, %add3A_396, %add3A_389 : vector<2048x128xf32>
    %select_n3A_398 = arith.select %lt3A_397, %add3A_396, %add3A_389 : vector<2048x128xi1>, vector<2048x128xf32>
    %jit3A_399 = arith.constant 27 : i32
    %jit3A_400 = arith.constant 26 : i32
    %broadcast_in_dim3A_401 = vector.broadcast %jit3A_399 : i32 to vector<2048x128xi32>
    %broadcast_in_dim3A_402 = vector.broadcast %jit3A_400 : i32 to vector<2048x128xi32>
    %select_n3A_403 = arith.select %lt3A_397, %broadcast_in_dim3A_401, %broadcast_in_dim3A_402 : vector<2048x128xi1>, vector<2048x128xi32>
    %lt3A_404 = arith.cmpf olt, %select_n3A_398, %select_n3A_376 : vector<2048x128xf32>
    %select_n3A_405 = arith.select %lt3A_404, %select_n3A_398, %select_n3A_376 : vector<2048x128xi1>, vector<2048x128xf32>
    %select_n3A_406 = arith.select %lt3A_404, %select_n3A_403, %select_n3A_377 : vector<2048x128xi1>, vector<2048x128xi32>
    %get3A_407 = arith.constant 0 : index
    %get3A_408 = arith.constant 3584 : index
    %get3A_409 = vector.load %arg7[%get3A_407, %get3A_408] : memref<256x8192xf32, #tpu.memory_space<vmem>>, vector<256x256xf32>
    %dot_general3A_410 = arith.constant dense<0.000000e+00> : vector<2048x256xf32>
    %dot_general3A_411 = tpu.matmul %mul3A_5, %get3A_409, %dot_general3A_410 {dimension_numbers = #tpu.dot_dimension_numbers<[1], [0], [0], [1], [0, 0, 1, 1], [], []>, transpose_lhs_hint = false} : vector<2048x256xf32>, vector<256x256xf32>, vector<2048x256xf32> -> vector<2048x256xf32>
    %get3A_412 = arith.constant 0 : index
    %get3A_413 = arith.constant 3584 : index
    %get3A_414 = vector.load %arg4[%get3A_412, %get3A_413] : memref<1x8192xf32, #tpu.memory_space<vmem>>, vector<1x128xf32>
    %add3A_415 = vector.broadcast %get3A_414 : vector<1x128xf32> to vector<2048x128xf32>
    %add3A_416 = arith.addf %broadcast_in_dim3A_9, %add3A_415 : vector<2048x128xf32>
    %slice3A_417 = vector.extract_strided_slice %dot_general3A_411 {offsets = [0, 0], sizes = [2048, 128], strides = [1, 1]} : vector<2048x256xf32> to vector<2048x128xf32>
    %add3A_418 = arith.addf %add3A_416, %slice3A_417 : vector<2048x128xf32>
    %get3A_419 = arith.constant 0 : index
    %get3A_420 = arith.constant 3712 : index
    %get3A_421 = vector.load %arg4[%get3A_419, %get3A_420] : memref<1x8192xf32, #tpu.memory_space<vmem>>, vector<1x128xf32>
    %add3A_422 = vector.broadcast %get3A_421 : vector<1x128xf32> to vector<2048x128xf32>
    %add3A_423 = arith.addf %broadcast_in_dim3A_9, %add3A_422 : vector<2048x128xf32>
    %slice3A_424 = vector.extract_strided_slice %dot_general3A_411 {offsets = [0, 128], sizes = [2048, 128], strides = [1, 1]} : vector<2048x256xf32> to vector<2048x128xf32>
    %add3A_425 = arith.addf %add3A_423, %slice3A_424 : vector<2048x128xf32>
    %lt3A_426 = arith.cmpf olt, %add3A_425, %add3A_418 : vector<2048x128xf32>
    %select_n3A_427 = arith.select %lt3A_426, %add3A_425, %add3A_418 : vector<2048x128xi1>, vector<2048x128xf32>
    %jit3A_428 = arith.constant 29 : i32
    %jit3A_429 = arith.constant 28 : i32
    %broadcast_in_dim3A_430 = vector.broadcast %jit3A_428 : i32 to vector<2048x128xi32>
    %broadcast_in_dim3A_431 = vector.broadcast %jit3A_429 : i32 to vector<2048x128xi32>
    %select_n3A_432 = arith.select %lt3A_426, %broadcast_in_dim3A_430, %broadcast_in_dim3A_431 : vector<2048x128xi1>, vector<2048x128xi32>
    %lt3A_433 = arith.cmpf olt, %select_n3A_427, %select_n3A_405 : vector<2048x128xf32>
    %select_n3A_434 = arith.select %lt3A_433, %select_n3A_427, %select_n3A_405 : vector<2048x128xi1>, vector<2048x128xf32>
    %select_n3A_435 = arith.select %lt3A_433, %select_n3A_432, %select_n3A_406 : vector<2048x128xi1>, vector<2048x128xi32>
    %get3A_436 = arith.constant 0 : index
    %get3A_437 = arith.constant 3840 : index
    %get3A_438 = vector.load %arg7[%get3A_436, %get3A_437] : memref<256x8192xf32, #tpu.memory_space<vmem>>, vector<256x256xf32>
    %dot_general3A_439 = arith.constant dense<0.000000e+00> : vector<2048x256xf32>
    %dot_general3A_440 = tpu.matmul %mul3A_5, %get3A_438, %dot_general3A_439 {dimension_numbers = #tpu.dot_dimension_numbers<[1], [0], [0], [1], [0, 0, 1, 1], [], []>, transpose_lhs_hint = false} : vector<2048x256xf32>, vector<256x256xf32>, vector<2048x256xf32> -> vector<2048x256xf32>
    %get3A_441 = arith.constant 0 : index
    %get3A_442 = arith.constant 3840 : index
    %get3A_443 = vector.load %arg4[%get3A_441, %get3A_442] : memref<1x8192xf32, #tpu.memory_space<vmem>>, vector<1x128xf32>
    %add3A_444 = vector.broadcast %get3A_443 : vector<1x128xf32> to vector<2048x128xf32>
    %add3A_445 = arith.addf %broadcast_in_dim3A_9, %add3A_444 : vector<2048x128xf32>
    %slice3A_446 = vector.extract_strided_slice %dot_general3A_440 {offsets = [0, 0], sizes = [2048, 128], strides = [1, 1]} : vector<2048x256xf32> to vector<2048x128xf32>
    %add3A_447 = arith.addf %add3A_445, %slice3A_446 : vector<2048x128xf32>
    %get3A_448 = arith.constant 0 : index
    %get3A_449 = arith.constant 3968 : index
    %get3A_450 = vector.load %arg4[%get3A_448, %get3A_449] : memref<1x8192xf32, #tpu.memory_space<vmem>>, vector<1x128xf32>
    %add3A_451 = vector.broadcast %get3A_450 : vector<1x128xf32> to vector<2048x128xf32>
    %add3A_452 = arith.addf %broadcast_in_dim3A_9, %add3A_451 : vector<2048x128xf32>
    %slice3A_453 = vector.extract_strided_slice %dot_general3A_440 {offsets = [0, 128], sizes = [2048, 128], strides = [1, 1]} : vector<2048x256xf32> to vector<2048x128xf32>
    %add3A_454 = arith.addf %add3A_452, %slice3A_453 : vector<2048x128xf32>
    %lt3A_455 = arith.cmpf olt, %add3A_454, %add3A_447 : vector<2048x128xf32>
    %select_n3A_456 = arith.select %lt3A_455, %add3A_454, %add3A_447 : vector<2048x128xi1>, vector<2048x128xf32>
    %jit3A_457 = arith.constant 31 : i32
    %jit3A_458 = arith.constant 30 : i32
    %broadcast_in_dim3A_459 = vector.broadcast %jit3A_457 : i32 to vector<2048x128xi32>
    %broadcast_in_dim3A_460 = vector.broadcast %jit3A_458 : i32 to vector<2048x128xi32>
    %select_n3A_461 = arith.select %lt3A_455, %broadcast_in_dim3A_459, %broadcast_in_dim3A_460 : vector<2048x128xi1>, vector<2048x128xi32>
    %lt3A_462 = arith.cmpf olt, %select_n3A_456, %select_n3A_434 : vector<2048x128xf32>
    %select_n3A_463 = arith.select %lt3A_462, %select_n3A_456, %select_n3A_434 : vector<2048x128xi1>, vector<2048x128xf32>
    %select_n3A_464 = arith.select %lt3A_462, %select_n3A_461, %select_n3A_435 : vector<2048x128xi1>, vector<2048x128xi32>
    %get3A_465 = arith.constant 0 : index
    %get3A_466 = arith.constant 4096 : index
    %get3A_467 = vector.load %arg7[%get3A_465, %get3A_466] : memref<256x8192xf32, #tpu.memory_space<vmem>>, vector<256x256xf32>
    %dot_general3A_468 = arith.constant dense<0.000000e+00> : vector<2048x256xf32>
    %dot_general3A_469 = tpu.matmul %mul3A_5, %get3A_467, %dot_general3A_468 {dimension_numbers = #tpu.dot_dimension_numbers<[1], [0], [0], [1], [0, 0, 1, 1], [], []>, transpose_lhs_hint = false} : vector<2048x256xf32>, vector<256x256xf32>, vector<2048x256xf32> -> vector<2048x256xf32>
    %get3A_470 = arith.constant 0 : index
    %get3A_471 = arith.constant 4096 : index
    %get3A_472 = vector.load %arg4[%get3A_470, %get3A_471] : memref<1x8192xf32, #tpu.memory_space<vmem>>, vector<1x128xf32>
    %add3A_473 = vector.broadcast %get3A_472 : vector<1x128xf32> to vector<2048x128xf32>
    %add3A_474 = arith.addf %broadcast_in_dim3A_9, %add3A_473 : vector<2048x128xf32>
    %slice3A_475 = vector.extract_strided_slice %dot_general3A_469 {offsets = [0, 0], sizes = [2048, 128], strides = [1, 1]} : vector<2048x256xf32> to vector<2048x128xf32>
    %add3A_476 = arith.addf %add3A_474, %slice3A_475 : vector<2048x128xf32>
    %get3A_477 = arith.constant 0 : index
    %get3A_478 = arith.constant 4224 : index
    %get3A_479 = vector.load %arg4[%get3A_477, %get3A_478] : memref<1x8192xf32, #tpu.memory_space<vmem>>, vector<1x128xf32>
    %add3A_480 = vector.broadcast %get3A_479 : vector<1x128xf32> to vector<2048x128xf32>
    %add3A_481 = arith.addf %broadcast_in_dim3A_9, %add3A_480 : vector<2048x128xf32>
    %slice3A_482 = vector.extract_strided_slice %dot_general3A_469 {offsets = [0, 128], sizes = [2048, 128], strides = [1, 1]} : vector<2048x256xf32> to vector<2048x128xf32>
    %add3A_483 = arith.addf %add3A_481, %slice3A_482 : vector<2048x128xf32>
    %lt3A_484 = arith.cmpf olt, %add3A_483, %add3A_476 : vector<2048x128xf32>
    %select_n3A_485 = arith.select %lt3A_484, %add3A_483, %add3A_476 : vector<2048x128xi1>, vector<2048x128xf32>
    %jit3A_486 = arith.constant 33 : i32
    %jit3A_487 = arith.constant 32 : i32
    %broadcast_in_dim3A_488 = vector.broadcast %jit3A_486 : i32 to vector<2048x128xi32>
    %broadcast_in_dim3A_489 = vector.broadcast %jit3A_487 : i32 to vector<2048x128xi32>
    %select_n3A_490 = arith.select %lt3A_484, %broadcast_in_dim3A_488, %broadcast_in_dim3A_489 : vector<2048x128xi1>, vector<2048x128xi32>
    %lt3A_491 = arith.cmpf olt, %select_n3A_485, %select_n3A_463 : vector<2048x128xf32>
    %select_n3A_492 = arith.select %lt3A_491, %select_n3A_485, %select_n3A_463 : vector<2048x128xi1>, vector<2048x128xf32>
    %select_n3A_493 = arith.select %lt3A_491, %select_n3A_490, %select_n3A_464 : vector<2048x128xi1>, vector<2048x128xi32>
    %get3A_494 = arith.constant 0 : index
    %get3A_495 = arith.constant 4352 : index
    %get3A_496 = vector.load %arg7[%get3A_494, %get3A_495] : memref<256x8192xf32, #tpu.memory_space<vmem>>, vector<256x256xf32>
    %dot_general3A_497 = arith.constant dense<0.000000e+00> : vector<2048x256xf32>
    %dot_general3A_498 = tpu.matmul %mul3A_5, %get3A_496, %dot_general3A_497 {dimension_numbers = #tpu.dot_dimension_numbers<[1], [0], [0], [1], [0, 0, 1, 1], [], []>, transpose_lhs_hint = false} : vector<2048x256xf32>, vector<256x256xf32>, vector<2048x256xf32> -> vector<2048x256xf32>
    %get3A_499 = arith.constant 0 : index
    %get3A_500 = arith.constant 4352 : index
    %get3A_501 = vector.load %arg4[%get3A_499, %get3A_500] : memref<1x8192xf32, #tpu.memory_space<vmem>>, vector<1x128xf32>
    %add3A_502 = vector.broadcast %get3A_501 : vector<1x128xf32> to vector<2048x128xf32>
    %add3A_503 = arith.addf %broadcast_in_dim3A_9, %add3A_502 : vector<2048x128xf32>
    %slice3A_504 = vector.extract_strided_slice %dot_general3A_498 {offsets = [0, 0], sizes = [2048, 128], strides = [1, 1]} : vector<2048x256xf32> to vector<2048x128xf32>
    %add3A_505 = arith.addf %add3A_503, %slice3A_504 : vector<2048x128xf32>
    %get3A_506 = arith.constant 0 : index
    %get3A_507 = arith.constant 4480 : index
    %get3A_508 = vector.load %arg4[%get3A_506, %get3A_507] : memref<1x8192xf32, #tpu.memory_space<vmem>>, vector<1x128xf32>
    %add3A_509 = vector.broadcast %get3A_508 : vector<1x128xf32> to vector<2048x128xf32>
    %add3A_510 = arith.addf %broadcast_in_dim3A_9, %add3A_509 : vector<2048x128xf32>
    %slice3A_511 = vector.extract_strided_slice %dot_general3A_498 {offsets = [0, 128], sizes = [2048, 128], strides = [1, 1]} : vector<2048x256xf32> to vector<2048x128xf32>
    %add3A_512 = arith.addf %add3A_510, %slice3A_511 : vector<2048x128xf32>
    %lt3A_513 = arith.cmpf olt, %add3A_512, %add3A_505 : vector<2048x128xf32>
    %select_n3A_514 = arith.select %lt3A_513, %add3A_512, %add3A_505 : vector<2048x128xi1>, vector<2048x128xf32>
    %jit3A_515 = arith.constant 35 : i32
    %jit3A_516 = arith.constant 34 : i32
    %broadcast_in_dim3A_517 = vector.broadcast %jit3A_515 : i32 to vector<2048x128xi32>
    %broadcast_in_dim3A_518 = vector.broadcast %jit3A_516 : i32 to vector<2048x128xi32>
    %select_n3A_519 = arith.select %lt3A_513, %broadcast_in_dim3A_517, %broadcast_in_dim3A_518 : vector<2048x128xi1>, vector<2048x128xi32>
    %lt3A_520 = arith.cmpf olt, %select_n3A_514, %select_n3A_492 : vector<2048x128xf32>
    %select_n3A_521 = arith.select %lt3A_520, %select_n3A_514, %select_n3A_492 : vector<2048x128xi1>, vector<2048x128xf32>
    %select_n3A_522 = arith.select %lt3A_520, %select_n3A_519, %select_n3A_493 : vector<2048x128xi1>, vector<2048x128xi32>
    %get3A_523 = arith.constant 0 : index
    %get3A_524 = arith.constant 4608 : index
    %get3A_525 = vector.load %arg7[%get3A_523, %get3A_524] : memref<256x8192xf32, #tpu.memory_space<vmem>>, vector<256x256xf32>
    %dot_general3A_526 = arith.constant dense<0.000000e+00> : vector<2048x256xf32>
    %dot_general3A_527 = tpu.matmul %mul3A_5, %get3A_525, %dot_general3A_526 {dimension_numbers = #tpu.dot_dimension_numbers<[1], [0], [0], [1], [0, 0, 1, 1], [], []>, transpose_lhs_hint = false} : vector<2048x256xf32>, vector<256x256xf32>, vector<2048x256xf32> -> vector<2048x256xf32>
    %get3A_528 = arith.constant 0 : index
    %get3A_529 = arith.constant 4608 : index
    %get3A_530 = vector.load %arg4[%get3A_528, %get3A_529] : memref<1x8192xf32, #tpu.memory_space<vmem>>, vector<1x128xf32>
    %add3A_531 = vector.broadcast %get3A_530 : vector<1x128xf32> to vector<2048x128xf32>
    %add3A_532 = arith.addf %broadcast_in_dim3A_9, %add3A_531 : vector<2048x128xf32>
    %slice3A_533 = vector.extract_strided_slice %dot_general3A_527 {offsets = [0, 0], sizes = [2048, 128], strides = [1, 1]} : vector<2048x256xf32> to vector<2048x128xf32>
    %add3A_534 = arith.addf %add3A_532, %slice3A_533 : vector<2048x128xf32>
    %get3A_535 = arith.constant 0 : index
    %get3A_536 = arith.constant 4736 : index
    %get3A_537 = vector.load %arg4[%get3A_535, %get3A_536] : memref<1x8192xf32, #tpu.memory_space<vmem>>, vector<1x128xf32>
    %add3A_538 = vector.broadcast %get3A_537 : vector<1x128xf32> to vector<2048x128xf32>
    %add3A_539 = arith.addf %broadcast_in_dim3A_9, %add3A_538 : vector<2048x128xf32>
    %slice3A_540 = vector.extract_strided_slice %dot_general3A_527 {offsets = [0, 128], sizes = [2048, 128], strides = [1, 1]} : vector<2048x256xf32> to vector<2048x128xf32>
    %add3A_541 = arith.addf %add3A_539, %slice3A_540 : vector<2048x128xf32>
    %lt3A_542 = arith.cmpf olt, %add3A_541, %add3A_534 : vector<2048x128xf32>
    %select_n3A_543 = arith.select %lt3A_542, %add3A_541, %add3A_534 : vector<2048x128xi1>, vector<2048x128xf32>
    %jit3A_544 = arith.constant 37 : i32
    %jit3A_545 = arith.constant 36 : i32
    %broadcast_in_dim3A_546 = vector.broadcast %jit3A_544 : i32 to vector<2048x128xi32>
    %broadcast_in_dim3A_547 = vector.broadcast %jit3A_545 : i32 to vector<2048x128xi32>
    %select_n3A_548 = arith.select %lt3A_542, %broadcast_in_dim3A_546, %broadcast_in_dim3A_547 : vector<2048x128xi1>, vector<2048x128xi32>
    %lt3A_549 = arith.cmpf olt, %select_n3A_543, %select_n3A_521 : vector<2048x128xf32>
    %select_n3A_550 = arith.select %lt3A_549, %select_n3A_543, %select_n3A_521 : vector<2048x128xi1>, vector<2048x128xf32>
    %select_n3A_551 = arith.select %lt3A_549, %select_n3A_548, %select_n3A_522 : vector<2048x128xi1>, vector<2048x128xi32>
    %get3A_552 = arith.constant 0 : index
    %get3A_553 = arith.constant 4864 : index
    %get3A_554 = vector.load %arg7[%get3A_552, %get3A_553] : memref<256x8192xf32, #tpu.memory_space<vmem>>, vector<256x256xf32>
    %dot_general3A_555 = arith.constant dense<0.000000e+00> : vector<2048x256xf32>
    %dot_general3A_556 = tpu.matmul %mul3A_5, %get3A_554, %dot_general3A_555 {dimension_numbers = #tpu.dot_dimension_numbers<[1], [0], [0], [1], [0, 0, 1, 1], [], []>, transpose_lhs_hint = false} : vector<2048x256xf32>, vector<256x256xf32>, vector<2048x256xf32> -> vector<2048x256xf32>
    %get3A_557 = arith.constant 0 : index
    %get3A_558 = arith.constant 4864 : index
    %get3A_559 = vector.load %arg4[%get3A_557, %get3A_558] : memref<1x8192xf32, #tpu.memory_space<vmem>>, vector<1x128xf32>
    %add3A_560 = vector.broadcast %get3A_559 : vector<1x128xf32> to vector<2048x128xf32>
    %add3A_561 = arith.addf %broadcast_in_dim3A_9, %add3A_560 : vector<2048x128xf32>
    %slice3A_562 = vector.extract_strided_slice %dot_general3A_556 {offsets = [0, 0], sizes = [2048, 128], strides = [1, 1]} : vector<2048x256xf32> to vector<2048x128xf32>
    %add3A_563 = arith.addf %add3A_561, %slice3A_562 : vector<2048x128xf32>
    %get3A_564 = arith.constant 0 : index
    %get3A_565 = arith.constant 4992 : index
    %get3A_566 = vector.load %arg4[%get3A_564, %get3A_565] : memref<1x8192xf32, #tpu.memory_space<vmem>>, vector<1x128xf32>
    %add3A_567 = vector.broadcast %get3A_566 : vector<1x128xf32> to vector<2048x128xf32>
    %add3A_568 = arith.addf %broadcast_in_dim3A_9, %add3A_567 : vector<2048x128xf32>
    %slice3A_569 = vector.extract_strided_slice %dot_general3A_556 {offsets = [0, 128], sizes = [2048, 128], strides = [1, 1]} : vector<2048x256xf32> to vector<2048x128xf32>
    %add3A_570 = arith.addf %add3A_568, %slice3A_569 : vector<2048x128xf32>
    %lt3A_571 = arith.cmpf olt, %add3A_570, %add3A_563 : vector<2048x128xf32>
    %select_n3A_572 = arith.select %lt3A_571, %add3A_570, %add3A_563 : vector<2048x128xi1>, vector<2048x128xf32>
    %jit3A_573 = arith.constant 39 : i32
    %jit3A_574 = arith.constant 38 : i32
    %broadcast_in_dim3A_575 = vector.broadcast %jit3A_573 : i32 to vector<2048x128xi32>
    %broadcast_in_dim3A_576 = vector.broadcast %jit3A_574 : i32 to vector<2048x128xi32>
    %select_n3A_577 = arith.select %lt3A_571, %broadcast_in_dim3A_575, %broadcast_in_dim3A_576 : vector<2048x128xi1>, vector<2048x128xi32>
    %lt3A_578 = arith.cmpf olt, %select_n3A_572, %select_n3A_550 : vector<2048x128xf32>
    %select_n3A_579 = arith.select %lt3A_578, %select_n3A_572, %select_n3A_550 : vector<2048x128xi1>, vector<2048x128xf32>
    %select_n3A_580 = arith.select %lt3A_578, %select_n3A_577, %select_n3A_551 : vector<2048x128xi1>, vector<2048x128xi32>
    %get3A_581 = arith.constant 0 : index
    %get3A_582 = arith.constant 5120 : index
    %get3A_583 = vector.load %arg7[%get3A_581, %get3A_582] : memref<256x8192xf32, #tpu.memory_space<vmem>>, vector<256x256xf32>
    %dot_general3A_584 = arith.constant dense<0.000000e+00> : vector<2048x256xf32>
    %dot_general3A_585 = tpu.matmul %mul3A_5, %get3A_583, %dot_general3A_584 {dimension_numbers = #tpu.dot_dimension_numbers<[1], [0], [0], [1], [0, 0, 1, 1], [], []>, transpose_lhs_hint = false} : vector<2048x256xf32>, vector<256x256xf32>, vector<2048x256xf32> -> vector<2048x256xf32>
    %get3A_586 = arith.constant 0 : index
    %get3A_587 = arith.constant 5120 : index
    %get3A_588 = vector.load %arg4[%get3A_586, %get3A_587] : memref<1x8192xf32, #tpu.memory_space<vmem>>, vector<1x128xf32>
    %add3A_589 = vector.broadcast %get3A_588 : vector<1x128xf32> to vector<2048x128xf32>
    %add3A_590 = arith.addf %broadcast_in_dim3A_9, %add3A_589 : vector<2048x128xf32>
    %slice3A_591 = vector.extract_strided_slice %dot_general3A_585 {offsets = [0, 0], sizes = [2048, 128], strides = [1, 1]} : vector<2048x256xf32> to vector<2048x128xf32>
    %add3A_592 = arith.addf %add3A_590, %slice3A_591 : vector<2048x128xf32>
    %get3A_593 = arith.constant 0 : index
    %get3A_594 = arith.constant 5248 : index
    %get3A_595 = vector.load %arg4[%get3A_593, %get3A_594] : memref<1x8192xf32, #tpu.memory_space<vmem>>, vector<1x128xf32>
    %add3A_596 = vector.broadcast %get3A_595 : vector<1x128xf32> to vector<2048x128xf32>
    %add3A_597 = arith.addf %broadcast_in_dim3A_9, %add3A_596 : vector<2048x128xf32>
    %slice3A_598 = vector.extract_strided_slice %dot_general3A_585 {offsets = [0, 128], sizes = [2048, 128], strides = [1, 1]} : vector<2048x256xf32> to vector<2048x128xf32>
    %add3A_599 = arith.addf %add3A_597, %slice3A_598 : vector<2048x128xf32>
    %lt3A_600 = arith.cmpf olt, %add3A_599, %add3A_592 : vector<2048x128xf32>
    %select_n3A_601 = arith.select %lt3A_600, %add3A_599, %add3A_592 : vector<2048x128xi1>, vector<2048x128xf32>
    %jit3A_602 = arith.constant 41 : i32
    %jit3A_603 = arith.constant 40 : i32
    %broadcast_in_dim3A_604 = vector.broadcast %jit3A_602 : i32 to vector<2048x128xi32>
    %broadcast_in_dim3A_605 = vector.broadcast %jit3A_603 : i32 to vector<2048x128xi32>
    %select_n3A_606 = arith.select %lt3A_600, %broadcast_in_dim3A_604, %broadcast_in_dim3A_605 : vector<2048x128xi1>, vector<2048x128xi32>
    %lt3A_607 = arith.cmpf olt, %select_n3A_601, %select_n3A_579 : vector<2048x128xf32>
    %select_n3A_608 = arith.select %lt3A_607, %select_n3A_601, %select_n3A_579 : vector<2048x128xi1>, vector<2048x128xf32>
    %select_n3A_609 = arith.select %lt3A_607, %select_n3A_606, %select_n3A_580 : vector<2048x128xi1>, vector<2048x128xi32>
    %get3A_610 = arith.constant 0 : index
    %get3A_611 = arith.constant 5376 : index
    %get3A_612 = vector.load %arg7[%get3A_610, %get3A_611] : memref<256x8192xf32, #tpu.memory_space<vmem>>, vector<256x256xf32>
    %dot_general3A_613 = arith.constant dense<0.000000e+00> : vector<2048x256xf32>
    %dot_general3A_614 = tpu.matmul %mul3A_5, %get3A_612, %dot_general3A_613 {dimension_numbers = #tpu.dot_dimension_numbers<[1], [0], [0], [1], [0, 0, 1, 1], [], []>, transpose_lhs_hint = false} : vector<2048x256xf32>, vector<256x256xf32>, vector<2048x256xf32> -> vector<2048x256xf32>
    %get3A_615 = arith.constant 0 : index
    %get3A_616 = arith.constant 5376 : index
    %get3A_617 = vector.load %arg4[%get3A_615, %get3A_616] : memref<1x8192xf32, #tpu.memory_space<vmem>>, vector<1x128xf32>
    %add3A_618 = vector.broadcast %get3A_617 : vector<1x128xf32> to vector<2048x128xf32>
    %add3A_619 = arith.addf %broadcast_in_dim3A_9, %add3A_618 : vector<2048x128xf32>
    %slice3A_620 = vector.extract_strided_slice %dot_general3A_614 {offsets = [0, 0], sizes = [2048, 128], strides = [1, 1]} : vector<2048x256xf32> to vector<2048x128xf32>
    %add3A_621 = arith.addf %add3A_619, %slice3A_620 : vector<2048x128xf32>
    %get3A_622 = arith.constant 0 : index
    %get3A_623 = arith.constant 5504 : index
    %get3A_624 = vector.load %arg4[%get3A_622, %get3A_623] : memref<1x8192xf32, #tpu.memory_space<vmem>>, vector<1x128xf32>
    %add3A_625 = vector.broadcast %get3A_624 : vector<1x128xf32> to vector<2048x128xf32>
    %add3A_626 = arith.addf %broadcast_in_dim3A_9, %add3A_625 : vector<2048x128xf32>
    %slice3A_627 = vector.extract_strided_slice %dot_general3A_614 {offsets = [0, 128], sizes = [2048, 128], strides = [1, 1]} : vector<2048x256xf32> to vector<2048x128xf32>
    %add3A_628 = arith.addf %add3A_626, %slice3A_627 : vector<2048x128xf32>
    %lt3A_629 = arith.cmpf olt, %add3A_628, %add3A_621 : vector<2048x128xf32>
    %select_n3A_630 = arith.select %lt3A_629, %add3A_628, %add3A_621 : vector<2048x128xi1>, vector<2048x128xf32>
    %jit3A_631 = arith.constant 43 : i32
    %jit3A_632 = arith.constant 42 : i32
    %broadcast_in_dim3A_633 = vector.broadcast %jit3A_631 : i32 to vector<2048x128xi32>
    %broadcast_in_dim3A_634 = vector.broadcast %jit3A_632 : i32 to vector<2048x128xi32>
    %select_n3A_635 = arith.select %lt3A_629, %broadcast_in_dim3A_633, %broadcast_in_dim3A_634 : vector<2048x128xi1>, vector<2048x128xi32>
    %lt3A_636 = arith.cmpf olt, %select_n3A_630, %select_n3A_608 : vector<2048x128xf32>
    %select_n3A_637 = arith.select %lt3A_636, %select_n3A_630, %select_n3A_608 : vector<2048x128xi1>, vector<2048x128xf32>
    %select_n3A_638 = arith.select %lt3A_636, %select_n3A_635, %select_n3A_609 : vector<2048x128xi1>, vector<2048x128xi32>
    %get3A_639 = arith.constant 0 : index
    %get3A_640 = arith.constant 5632 : index
    %get3A_641 = vector.load %arg7[%get3A_639, %get3A_640] : memref<256x8192xf32, #tpu.memory_space<vmem>>, vector<256x256xf32>
    %dot_general3A_642 = arith.constant dense<0.000000e+00> : vector<2048x256xf32>
    %dot_general3A_643 = tpu.matmul %mul3A_5, %get3A_641, %dot_general3A_642 {dimension_numbers = #tpu.dot_dimension_numbers<[1], [0], [0], [1], [0, 0, 1, 1], [], []>, transpose_lhs_hint = false} : vector<2048x256xf32>, vector<256x256xf32>, vector<2048x256xf32> -> vector<2048x256xf32>
    %get3A_644 = arith.constant 0 : index
    %get3A_645 = arith.constant 5632 : index
    %get3A_646 = vector.load %arg4[%get3A_644, %get3A_645] : memref<1x8192xf32, #tpu.memory_space<vmem>>, vector<1x128xf32>
    %add3A_647 = vector.broadcast %get3A_646 : vector<1x128xf32> to vector<2048x128xf32>
    %add3A_648 = arith.addf %broadcast_in_dim3A_9, %add3A_647 : vector<2048x128xf32>
    %slice3A_649 = vector.extract_strided_slice %dot_general3A_643 {offsets = [0, 0], sizes = [2048, 128], strides = [1, 1]} : vector<2048x256xf32> to vector<2048x128xf32>
    %add3A_650 = arith.addf %add3A_648, %slice3A_649 : vector<2048x128xf32>
    %get3A_651 = arith.constant 0 : index
    %get3A_652 = arith.constant 5760 : index
    %get3A_653 = vector.load %arg4[%get3A_651, %get3A_652] : memref<1x8192xf32, #tpu.memory_space<vmem>>, vector<1x128xf32>
    %add3A_654 = vector.broadcast %get3A_653 : vector<1x128xf32> to vector<2048x128xf32>
    %add3A_655 = arith.addf %broadcast_in_dim3A_9, %add3A_654 : vector<2048x128xf32>
    %slice3A_656 = vector.extract_strided_slice %dot_general3A_643 {offsets = [0, 128], sizes = [2048, 128], strides = [1, 1]} : vector<2048x256xf32> to vector<2048x128xf32>
    %add3A_657 = arith.addf %add3A_655, %slice3A_656 : vector<2048x128xf32>
    %lt3A_658 = arith.cmpf olt, %add3A_657, %add3A_650 : vector<2048x128xf32>
    %select_n3A_659 = arith.select %lt3A_658, %add3A_657, %add3A_650 : vector<2048x128xi1>, vector<2048x128xf32>
    %jit3A_660 = arith.constant 45 : i32
    %jit3A_661 = arith.constant 44 : i32
    %broadcast_in_dim3A_662 = vector.broadcast %jit3A_660 : i32 to vector<2048x128xi32>
    %broadcast_in_dim3A_663 = vector.broadcast %jit3A_661 : i32 to vector<2048x128xi32>
    %select_n3A_664 = arith.select %lt3A_658, %broadcast_in_dim3A_662, %broadcast_in_dim3A_663 : vector<2048x128xi1>, vector<2048x128xi32>
    %lt3A_665 = arith.cmpf olt, %select_n3A_659, %select_n3A_637 : vector<2048x128xf32>
    %select_n3A_666 = arith.select %lt3A_665, %select_n3A_659, %select_n3A_637 : vector<2048x128xi1>, vector<2048x128xf32>
    %select_n3A_667 = arith.select %lt3A_665, %select_n3A_664, %select_n3A_638 : vector<2048x128xi1>, vector<2048x128xi32>
    %get3A_668 = arith.constant 0 : index
    %get3A_669 = arith.constant 5888 : index
    %get3A_670 = vector.load %arg7[%get3A_668, %get3A_669] : memref<256x8192xf32, #tpu.memory_space<vmem>>, vector<256x256xf32>
    %dot_general3A_671 = arith.constant dense<0.000000e+00> : vector<2048x256xf32>
    %dot_general3A_672 = tpu.matmul %mul3A_5, %get3A_670, %dot_general3A_671 {dimension_numbers = #tpu.dot_dimension_numbers<[1], [0], [0], [1], [0, 0, 1, 1], [], []>, transpose_lhs_hint = false} : vector<2048x256xf32>, vector<256x256xf32>, vector<2048x256xf32> -> vector<2048x256xf32>
    %get3A_673 = arith.constant 0 : index
    %get3A_674 = arith.constant 5888 : index
    %get3A_675 = vector.load %arg4[%get3A_673, %get3A_674] : memref<1x8192xf32, #tpu.memory_space<vmem>>, vector<1x128xf32>
    %add3A_676 = vector.broadcast %get3A_675 : vector<1x128xf32> to vector<2048x128xf32>
    %add3A_677 = arith.addf %broadcast_in_dim3A_9, %add3A_676 : vector<2048x128xf32>
    %slice3A_678 = vector.extract_strided_slice %dot_general3A_672 {offsets = [0, 0], sizes = [2048, 128], strides = [1, 1]} : vector<2048x256xf32> to vector<2048x128xf32>
    %add3A_679 = arith.addf %add3A_677, %slice3A_678 : vector<2048x128xf32>
    %get3A_680 = arith.constant 0 : index
    %get3A_681 = arith.constant 6016 : index
    %get3A_682 = vector.load %arg4[%get3A_680, %get3A_681] : memref<1x8192xf32, #tpu.memory_space<vmem>>, vector<1x128xf32>
    %add3A_683 = vector.broadcast %get3A_682 : vector<1x128xf32> to vector<2048x128xf32>
    %add3A_684 = arith.addf %broadcast_in_dim3A_9, %add3A_683 : vector<2048x128xf32>
    %slice3A_685 = vector.extract_strided_slice %dot_general3A_672 {offsets = [0, 128], sizes = [2048, 128], strides = [1, 1]} : vector<2048x256xf32> to vector<2048x128xf32>
    %add3A_686 = arith.addf %add3A_684, %slice3A_685 : vector<2048x128xf32>
    %lt3A_687 = arith.cmpf olt, %add3A_686, %add3A_679 : vector<2048x128xf32>
    %select_n3A_688 = arith.select %lt3A_687, %add3A_686, %add3A_679 : vector<2048x128xi1>, vector<2048x128xf32>
    %jit3A_689 = arith.constant 47 : i32
    %jit3A_690 = arith.constant 46 : i32
    %broadcast_in_dim3A_691 = vector.broadcast %jit3A_689 : i32 to vector<2048x128xi32>
    %broadcast_in_dim3A_692 = vector.broadcast %jit3A_690 : i32 to vector<2048x128xi32>
    %select_n3A_693 = arith.select %lt3A_687, %broadcast_in_dim3A_691, %broadcast_in_dim3A_692 : vector<2048x128xi1>, vector<2048x128xi32>
    %lt3A_694 = arith.cmpf olt, %select_n3A_688, %select_n3A_666 : vector<2048x128xf32>
    %select_n3A_695 = arith.select %lt3A_694, %select_n3A_688, %select_n3A_666 : vector<2048x128xi1>, vector<2048x128xf32>
    %select_n3A_696 = arith.select %lt3A_694, %select_n3A_693, %select_n3A_667 : vector<2048x128xi1>, vector<2048x128xi32>
    %get3A_697 = arith.constant 0 : index
    %get3A_698 = arith.constant 6144 : index
    %get3A_699 = vector.load %arg7[%get3A_697, %get3A_698] : memref<256x8192xf32, #tpu.memory_space<vmem>>, vector<256x256xf32>
    %dot_general3A_700 = arith.constant dense<0.000000e+00> : vector<2048x256xf32>
    %dot_general3A_701 = tpu.matmul %mul3A_5, %get3A_699, %dot_general3A_700 {dimension_numbers = #tpu.dot_dimension_numbers<[1], [0], [0], [1], [0, 0, 1, 1], [], []>, transpose_lhs_hint = false} : vector<2048x256xf32>, vector<256x256xf32>, vector<2048x256xf32> -> vector<2048x256xf32>
    %get3A_702 = arith.constant 0 : index
    %get3A_703 = arith.constant 6144 : index
    %get3A_704 = vector.load %arg4[%get3A_702, %get3A_703] : memref<1x8192xf32, #tpu.memory_space<vmem>>, vector<1x128xf32>
    %add3A_705 = vector.broadcast %get3A_704 : vector<1x128xf32> to vector<2048x128xf32>
    %add3A_706 = arith.addf %broadcast_in_dim3A_9, %add3A_705 : vector<2048x128xf32>
    %slice3A_707 = vector.extract_strided_slice %dot_general3A_701 {offsets = [0, 0], sizes = [2048, 128], strides = [1, 1]} : vector<2048x256xf32> to vector<2048x128xf32>
    %add3A_708 = arith.addf %add3A_706, %slice3A_707 : vector<2048x128xf32>
    %get3A_709 = arith.constant 0 : index
    %get3A_710 = arith.constant 6272 : index
    %get3A_711 = vector.load %arg4[%get3A_709, %get3A_710] : memref<1x8192xf32, #tpu.memory_space<vmem>>, vector<1x128xf32>
    %add3A_712 = vector.broadcast %get3A_711 : vector<1x128xf32> to vector<2048x128xf32>
    %add3A_713 = arith.addf %broadcast_in_dim3A_9, %add3A_712 : vector<2048x128xf32>
    %slice3A_714 = vector.extract_strided_slice %dot_general3A_701 {offsets = [0, 128], sizes = [2048, 128], strides = [1, 1]} : vector<2048x256xf32> to vector<2048x128xf32>
    %add3A_715 = arith.addf %add3A_713, %slice3A_714 : vector<2048x128xf32>
    %lt3A_716 = arith.cmpf olt, %add3A_715, %add3A_708 : vector<2048x128xf32>
    %select_n3A_717 = arith.select %lt3A_716, %add3A_715, %add3A_708 : vector<2048x128xi1>, vector<2048x128xf32>
    %jit3A_718 = arith.constant 49 : i32
    %jit3A_719 = arith.constant 48 : i32
    %broadcast_in_dim3A_720 = vector.broadcast %jit3A_718 : i32 to vector<2048x128xi32>
    %broadcast_in_dim3A_721 = vector.broadcast %jit3A_719 : i32 to vector<2048x128xi32>
    %select_n3A_722 = arith.select %lt3A_716, %broadcast_in_dim3A_720, %broadcast_in_dim3A_721 : vector<2048x128xi1>, vector<2048x128xi32>
    %lt3A_723 = arith.cmpf olt, %select_n3A_717, %select_n3A_695 : vector<2048x128xf32>
    %select_n3A_724 = arith.select %lt3A_723, %select_n3A_717, %select_n3A_695 : vector<2048x128xi1>, vector<2048x128xf32>
    %select_n3A_725 = arith.select %lt3A_723, %select_n3A_722, %select_n3A_696 : vector<2048x128xi1>, vector<2048x128xi32>
    %get3A_726 = arith.constant 0 : index
    %get3A_727 = arith.constant 6400 : index
    %get3A_728 = vector.load %arg7[%get3A_726, %get3A_727] : memref<256x8192xf32, #tpu.memory_space<vmem>>, vector<256x256xf32>
    %dot_general3A_729 = arith.constant dense<0.000000e+00> : vector<2048x256xf32>
    %dot_general3A_730 = tpu.matmul %mul3A_5, %get3A_728, %dot_general3A_729 {dimension_numbers = #tpu.dot_dimension_numbers<[1], [0], [0], [1], [0, 0, 1, 1], [], []>, transpose_lhs_hint = false} : vector<2048x256xf32>, vector<256x256xf32>, vector<2048x256xf32> -> vector<2048x256xf32>
    %get3A_731 = arith.constant 0 : index
    %get3A_732 = arith.constant 6400 : index
    %get3A_733 = vector.load %arg4[%get3A_731, %get3A_732] : memref<1x8192xf32, #tpu.memory_space<vmem>>, vector<1x128xf32>
    %add3A_734 = vector.broadcast %get3A_733 : vector<1x128xf32> to vector<2048x128xf32>
    %add3A_735 = arith.addf %broadcast_in_dim3A_9, %add3A_734 : vector<2048x128xf32>
    %slice3A_736 = vector.extract_strided_slice %dot_general3A_730 {offsets = [0, 0], sizes = [2048, 128], strides = [1, 1]} : vector<2048x256xf32> to vector<2048x128xf32>
    %add3A_737 = arith.addf %add3A_735, %slice3A_736 : vector<2048x128xf32>
    %get3A_738 = arith.constant 0 : index
    %get3A_739 = arith.constant 6528 : index
    %get3A_740 = vector.load %arg4[%get3A_738, %get3A_739] : memref<1x8192xf32, #tpu.memory_space<vmem>>, vector<1x128xf32>
    %add3A_741 = vector.broadcast %get3A_740 : vector<1x128xf32> to vector<2048x128xf32>
    %add3A_742 = arith.addf %broadcast_in_dim3A_9, %add3A_741 : vector<2048x128xf32>
    %slice3A_743 = vector.extract_strided_slice %dot_general3A_730 {offsets = [0, 128], sizes = [2048, 128], strides = [1, 1]} : vector<2048x256xf32> to vector<2048x128xf32>
    %add3A_744 = arith.addf %add3A_742, %slice3A_743 : vector<2048x128xf32>
    %lt3A_745 = arith.cmpf olt, %add3A_744, %add3A_737 : vector<2048x128xf32>
    %select_n3A_746 = arith.select %lt3A_745, %add3A_744, %add3A_737 : vector<2048x128xi1>, vector<2048x128xf32>
    %jit3A_747 = arith.constant 51 : i32
    %jit3A_748 = arith.constant 50 : i32
    %broadcast_in_dim3A_749 = vector.broadcast %jit3A_747 : i32 to vector<2048x128xi32>
    %broadcast_in_dim3A_750 = vector.broadcast %jit3A_748 : i32 to vector<2048x128xi32>
    %select_n3A_751 = arith.select %lt3A_745, %broadcast_in_dim3A_749, %broadcast_in_dim3A_750 : vector<2048x128xi1>, vector<2048x128xi32>
    %lt3A_752 = arith.cmpf olt, %select_n3A_746, %select_n3A_724 : vector<2048x128xf32>
    %select_n3A_753 = arith.select %lt3A_752, %select_n3A_746, %select_n3A_724 : vector<2048x128xi1>, vector<2048x128xf32>
    %select_n3A_754 = arith.select %lt3A_752, %select_n3A_751, %select_n3A_725 : vector<2048x128xi1>, vector<2048x128xi32>
    %get3A_755 = arith.constant 0 : index
    %get3A_756 = arith.constant 6656 : index
    %get3A_757 = vector.load %arg7[%get3A_755, %get3A_756] : memref<256x8192xf32, #tpu.memory_space<vmem>>, vector<256x256xf32>
    %dot_general3A_758 = arith.constant dense<0.000000e+00> : vector<2048x256xf32>
    %dot_general3A_759 = tpu.matmul %mul3A_5, %get3A_757, %dot_general3A_758 {dimension_numbers = #tpu.dot_dimension_numbers<[1], [0], [0], [1], [0, 0, 1, 1], [], []>, transpose_lhs_hint = false} : vector<2048x256xf32>, vector<256x256xf32>, vector<2048x256xf32> -> vector<2048x256xf32>
    %get3A_760 = arith.constant 0 : index
    %get3A_761 = arith.constant 6656 : index
    %get3A_762 = vector.load %arg4[%get3A_760, %get3A_761] : memref<1x8192xf32, #tpu.memory_space<vmem>>, vector<1x128xf32>
    %add3A_763 = vector.broadcast %get3A_762 : vector<1x128xf32> to vector<2048x128xf32>
    %add3A_764 = arith.addf %broadcast_in_dim3A_9, %add3A_763 : vector<2048x128xf32>
    %slice3A_765 = vector.extract_strided_slice %dot_general3A_759 {offsets = [0, 0], sizes = [2048, 128], strides = [1, 1]} : vector<2048x256xf32> to vector<2048x128xf32>
    %add3A_766 = arith.addf %add3A_764, %slice3A_765 : vector<2048x128xf32>
    %get3A_767 = arith.constant 0 : index
    %get3A_768 = arith.constant 6784 : index
    %get3A_769 = vector.load %arg4[%get3A_767, %get3A_768] : memref<1x8192xf32, #tpu.memory_space<vmem>>, vector<1x128xf32>
    %add3A_770 = vector.broadcast %get3A_769 : vector<1x128xf32> to vector<2048x128xf32>
    %add3A_771 = arith.addf %broadcast_in_dim3A_9, %add3A_770 : vector<2048x128xf32>
    %slice3A_772 = vector.extract_strided_slice %dot_general3A_759 {offsets = [0, 128], sizes = [2048, 128], strides = [1, 1]} : vector<2048x256xf32> to vector<2048x128xf32>
    %add3A_773 = arith.addf %add3A_771, %slice3A_772 : vector<2048x128xf32>
    %lt3A_774 = arith.cmpf olt, %add3A_773, %add3A_766 : vector<2048x128xf32>
    %select_n3A_775 = arith.select %lt3A_774, %add3A_773, %add3A_766 : vector<2048x128xi1>, vector<2048x128xf32>
    %jit3A_776 = arith.constant 53 : i32
    %jit3A_777 = arith.constant 52 : i32
    %broadcast_in_dim3A_778 = vector.broadcast %jit3A_776 : i32 to vector<2048x128xi32>
    %broadcast_in_dim3A_779 = vector.broadcast %jit3A_777 : i32 to vector<2048x128xi32>
    %select_n3A_780 = arith.select %lt3A_774, %broadcast_in_dim3A_778, %broadcast_in_dim3A_779 : vector<2048x128xi1>, vector<2048x128xi32>
    %lt3A_781 = arith.cmpf olt, %select_n3A_775, %select_n3A_753 : vector<2048x128xf32>
    %select_n3A_782 = arith.select %lt3A_781, %select_n3A_775, %select_n3A_753 : vector<2048x128xi1>, vector<2048x128xf32>
    %select_n3A_783 = arith.select %lt3A_781, %select_n3A_780, %select_n3A_754 : vector<2048x128xi1>, vector<2048x128xi32>
    %get3A_784 = arith.constant 0 : index
    %get3A_785 = arith.constant 6912 : index
    %get3A_786 = vector.load %arg7[%get3A_784, %get3A_785] : memref<256x8192xf32, #tpu.memory_space<vmem>>, vector<256x256xf32>
    %dot_general3A_787 = arith.constant dense<0.000000e+00> : vector<2048x256xf32>
    %dot_general3A_788 = tpu.matmul %mul3A_5, %get3A_786, %dot_general3A_787 {dimension_numbers = #tpu.dot_dimension_numbers<[1], [0], [0], [1], [0, 0, 1, 1], [], []>, transpose_lhs_hint = false} : vector<2048x256xf32>, vector<256x256xf32>, vector<2048x256xf32> -> vector<2048x256xf32>
    %get3A_789 = arith.constant 0 : index
    %get3A_790 = arith.constant 6912 : index
    %get3A_791 = vector.load %arg4[%get3A_789, %get3A_790] : memref<1x8192xf32, #tpu.memory_space<vmem>>, vector<1x128xf32>
    %add3A_792 = vector.broadcast %get3A_791 : vector<1x128xf32> to vector<2048x128xf32>
    %add3A_793 = arith.addf %broadcast_in_dim3A_9, %add3A_792 : vector<2048x128xf32>
    %slice3A_794 = vector.extract_strided_slice %dot_general3A_788 {offsets = [0, 0], sizes = [2048, 128], strides = [1, 1]} : vector<2048x256xf32> to vector<2048x128xf32>
    %add3A_795 = arith.addf %add3A_793, %slice3A_794 : vector<2048x128xf32>
    %get3A_796 = arith.constant 0 : index
    %get3A_797 = arith.constant 7040 : index
    %get3A_798 = vector.load %arg4[%get3A_796, %get3A_797] : memref<1x8192xf32, #tpu.memory_space<vmem>>, vector<1x128xf32>
    %add3A_799 = vector.broadcast %get3A_798 : vector<1x128xf32> to vector<2048x128xf32>
    %add3A_800 = arith.addf %broadcast_in_dim3A_9, %add3A_799 : vector<2048x128xf32>
    %slice3A_801 = vector.extract_strided_slice %dot_general3A_788 {offsets = [0, 128], sizes = [2048, 128], strides = [1, 1]} : vector<2048x256xf32> to vector<2048x128xf32>
    %add3A_802 = arith.addf %add3A_800, %slice3A_801 : vector<2048x128xf32>
    %lt3A_803 = arith.cmpf olt, %add3A_802, %add3A_795 : vector<2048x128xf32>
    %select_n3A_804 = arith.select %lt3A_803, %add3A_802, %add3A_795 : vector<2048x128xi1>, vector<2048x128xf32>
    %jit3A_805 = arith.constant 55 : i32
    %jit3A_806 = arith.constant 54 : i32
    %broadcast_in_dim3A_807 = vector.broadcast %jit3A_805 : i32 to vector<2048x128xi32>
    %broadcast_in_dim3A_808 = vector.broadcast %jit3A_806 : i32 to vector<2048x128xi32>
    %select_n3A_809 = arith.select %lt3A_803, %broadcast_in_dim3A_807, %broadcast_in_dim3A_808 : vector<2048x128xi1>, vector<2048x128xi32>
    %lt3A_810 = arith.cmpf olt, %select_n3A_804, %select_n3A_782 : vector<2048x128xf32>
    %select_n3A_811 = arith.select %lt3A_810, %select_n3A_804, %select_n3A_782 : vector<2048x128xi1>, vector<2048x128xf32>
    %select_n3A_812 = arith.select %lt3A_810, %select_n3A_809, %select_n3A_783 : vector<2048x128xi1>, vector<2048x128xi32>
    %get3A_813 = arith.constant 0 : index
    %get3A_814 = arith.constant 7168 : index
    %get3A_815 = vector.load %arg7[%get3A_813, %get3A_814] : memref<256x8192xf32, #tpu.memory_space<vmem>>, vector<256x256xf32>
    %dot_general3A_816 = arith.constant dense<0.000000e+00> : vector<2048x256xf32>
    %dot_general3A_817 = tpu.matmul %mul3A_5, %get3A_815, %dot_general3A_816 {dimension_numbers = #tpu.dot_dimension_numbers<[1], [0], [0], [1], [0, 0, 1, 1], [], []>, transpose_lhs_hint = false} : vector<2048x256xf32>, vector<256x256xf32>, vector<2048x256xf32> -> vector<2048x256xf32>
    %get3A_818 = arith.constant 0 : index
    %get3A_819 = arith.constant 7168 : index
    %get3A_820 = vector.load %arg4[%get3A_818, %get3A_819] : memref<1x8192xf32, #tpu.memory_space<vmem>>, vector<1x128xf32>
    %add3A_821 = vector.broadcast %get3A_820 : vector<1x128xf32> to vector<2048x128xf32>
    %add3A_822 = arith.addf %broadcast_in_dim3A_9, %add3A_821 : vector<2048x128xf32>
    %slice3A_823 = vector.extract_strided_slice %dot_general3A_817 {offsets = [0, 0], sizes = [2048, 128], strides = [1, 1]} : vector<2048x256xf32> to vector<2048x128xf32>
    %add3A_824 = arith.addf %add3A_822, %slice3A_823 : vector<2048x128xf32>
    %get3A_825 = arith.constant 0 : index
    %get3A_826 = arith.constant 7296 : index
    %get3A_827 = vector.load %arg4[%get3A_825, %get3A_826] : memref<1x8192xf32, #tpu.memory_space<vmem>>, vector<1x128xf32>
    %add3A_828 = vector.broadcast %get3A_827 : vector<1x128xf32> to vector<2048x128xf32>
    %add3A_829 = arith.addf %broadcast_in_dim3A_9, %add3A_828 : vector<2048x128xf32>
    %slice3A_830 = vector.extract_strided_slice %dot_general3A_817 {offsets = [0, 128], sizes = [2048, 128], strides = [1, 1]} : vector<2048x256xf32> to vector<2048x128xf32>
    %add3A_831 = arith.addf %add3A_829, %slice3A_830 : vector<2048x128xf32>
    %lt3A_832 = arith.cmpf olt, %add3A_831, %add3A_824 : vector<2048x128xf32>
    %select_n3A_833 = arith.select %lt3A_832, %add3A_831, %add3A_824 : vector<2048x128xi1>, vector<2048x128xf32>
    %jit3A_834 = arith.constant 57 : i32
    %jit3A_835 = arith.constant 56 : i32
    %broadcast_in_dim3A_836 = vector.broadcast %jit3A_834 : i32 to vector<2048x128xi32>
    %broadcast_in_dim3A_837 = vector.broadcast %jit3A_835 : i32 to vector<2048x128xi32>
    %select_n3A_838 = arith.select %lt3A_832, %broadcast_in_dim3A_836, %broadcast_in_dim3A_837 : vector<2048x128xi1>, vector<2048x128xi32>
    %lt3A_839 = arith.cmpf olt, %select_n3A_833, %select_n3A_811 : vector<2048x128xf32>
    %select_n3A_840 = arith.select %lt3A_839, %select_n3A_833, %select_n3A_811 : vector<2048x128xi1>, vector<2048x128xf32>
    %select_n3A_841 = arith.select %lt3A_839, %select_n3A_838, %select_n3A_812 : vector<2048x128xi1>, vector<2048x128xi32>
    %get3A_842 = arith.constant 0 : index
    %get3A_843 = arith.constant 7424 : index
    %get3A_844 = vector.load %arg7[%get3A_842, %get3A_843] : memref<256x8192xf32, #tpu.memory_space<vmem>>, vector<256x256xf32>
    %dot_general3A_845 = arith.constant dense<0.000000e+00> : vector<2048x256xf32>
    %dot_general3A_846 = tpu.matmul %mul3A_5, %get3A_844, %dot_general3A_845 {dimension_numbers = #tpu.dot_dimension_numbers<[1], [0], [0], [1], [0, 0, 1, 1], [], []>, transpose_lhs_hint = false} : vector<2048x256xf32>, vector<256x256xf32>, vector<2048x256xf32> -> vector<2048x256xf32>
    %get3A_847 = arith.constant 0 : index
    %get3A_848 = arith.constant 7424 : index
    %get3A_849 = vector.load %arg4[%get3A_847, %get3A_848] : memref<1x8192xf32, #tpu.memory_space<vmem>>, vector<1x128xf32>
    %add3A_850 = vector.broadcast %get3A_849 : vector<1x128xf32> to vector<2048x128xf32>
    %add3A_851 = arith.addf %broadcast_in_dim3A_9, %add3A_850 : vector<2048x128xf32>
    %slice3A_852 = vector.extract_strided_slice %dot_general3A_846 {offsets = [0, 0], sizes = [2048, 128], strides = [1, 1]} : vector<2048x256xf32> to vector<2048x128xf32>
    %add3A_853 = arith.addf %add3A_851, %slice3A_852 : vector<2048x128xf32>
    %get3A_854 = arith.constant 0 : index
    %get3A_855 = arith.constant 7552 : index
    %get3A_856 = vector.load %arg4[%get3A_854, %get3A_855] : memref<1x8192xf32, #tpu.memory_space<vmem>>, vector<1x128xf32>
    %add3A_857 = vector.broadcast %get3A_856 : vector<1x128xf32> to vector<2048x128xf32>
    %add3A_858 = arith.addf %broadcast_in_dim3A_9, %add3A_857 : vector<2048x128xf32>
    %slice3A_859 = vector.extract_strided_slice %dot_general3A_846 {offsets = [0, 128], sizes = [2048, 128], strides = [1, 1]} : vector<2048x256xf32> to vector<2048x128xf32>
    %add3A_860 = arith.addf %add3A_858, %slice3A_859 : vector<2048x128xf32>
    %lt3A_861 = arith.cmpf olt, %add3A_860, %add3A_853 : vector<2048x128xf32>
    %select_n3A_862 = arith.select %lt3A_861, %add3A_860, %add3A_853 : vector<2048x128xi1>, vector<2048x128xf32>
    %jit3A_863 = arith.constant 59 : i32
    %jit3A_864 = arith.constant 58 : i32
    %broadcast_in_dim3A_865 = vector.broadcast %jit3A_863 : i32 to vector<2048x128xi32>
    %broadcast_in_dim3A_866 = vector.broadcast %jit3A_864 : i32 to vector<2048x128xi32>
    %select_n3A_867 = arith.select %lt3A_861, %broadcast_in_dim3A_865, %broadcast_in_dim3A_866 : vector<2048x128xi1>, vector<2048x128xi32>
    %lt3A_868 = arith.cmpf olt, %select_n3A_862, %select_n3A_840 : vector<2048x128xf32>
    %select_n3A_869 = arith.select %lt3A_868, %select_n3A_862, %select_n3A_840 : vector<2048x128xi1>, vector<2048x128xf32>
    %select_n3A_870 = arith.select %lt3A_868, %select_n3A_867, %select_n3A_841 : vector<2048x128xi1>, vector<2048x128xi32>
    %get3A_871 = arith.constant 0 : index
    %get3A_872 = arith.constant 7680 : index
    %get3A_873 = vector.load %arg7[%get3A_871, %get3A_872] : memref<256x8192xf32, #tpu.memory_space<vmem>>, vector<256x256xf32>
    %dot_general3A_874 = arith.constant dense<0.000000e+00> : vector<2048x256xf32>
    %dot_general3A_875 = tpu.matmul %mul3A_5, %get3A_873, %dot_general3A_874 {dimension_numbers = #tpu.dot_dimension_numbers<[1], [0], [0], [1], [0, 0, 1, 1], [], []>, transpose_lhs_hint = false} : vector<2048x256xf32>, vector<256x256xf32>, vector<2048x256xf32> -> vector<2048x256xf32>
    %get3A_876 = arith.constant 0 : index
    %get3A_877 = arith.constant 7680 : index
    %get3A_878 = vector.load %arg4[%get3A_876, %get3A_877] : memref<1x8192xf32, #tpu.memory_space<vmem>>, vector<1x128xf32>
    %add3A_879 = vector.broadcast %get3A_878 : vector<1x128xf32> to vector<2048x128xf32>
    %add3A_880 = arith.addf %broadcast_in_dim3A_9, %add3A_879 : vector<2048x128xf32>
    %slice3A_881 = vector.extract_strided_slice %dot_general3A_875 {offsets = [0, 0], sizes = [2048, 128], strides = [1, 1]} : vector<2048x256xf32> to vector<2048x128xf32>
    %add3A_882 = arith.addf %add3A_880, %slice3A_881 : vector<2048x128xf32>
    %get3A_883 = arith.constant 0 : index
    %get3A_884 = arith.constant 7808 : index
    %get3A_885 = vector.load %arg4[%get3A_883, %get3A_884] : memref<1x8192xf32, #tpu.memory_space<vmem>>, vector<1x128xf32>
    %add3A_886 = vector.broadcast %get3A_885 : vector<1x128xf32> to vector<2048x128xf32>
    %add3A_887 = arith.addf %broadcast_in_dim3A_9, %add3A_886 : vector<2048x128xf32>
    %slice3A_888 = vector.extract_strided_slice %dot_general3A_875 {offsets = [0, 128], sizes = [2048, 128], strides = [1, 1]} : vector<2048x256xf32> to vector<2048x128xf32>
    %add3A_889 = arith.addf %add3A_887, %slice3A_888 : vector<2048x128xf32>
    %lt3A_890 = arith.cmpf olt, %add3A_889, %add3A_882 : vector<2048x128xf32>
    %select_n3A_891 = arith.select %lt3A_890, %add3A_889, %add3A_882 : vector<2048x128xi1>, vector<2048x128xf32>
    %jit3A_892 = arith.constant 61 : i32
    %jit3A_893 = arith.constant 60 : i32
    %broadcast_in_dim3A_894 = vector.broadcast %jit3A_892 : i32 to vector<2048x128xi32>
    %broadcast_in_dim3A_895 = vector.broadcast %jit3A_893 : i32 to vector<2048x128xi32>
    %select_n3A_896 = arith.select %lt3A_890, %broadcast_in_dim3A_894, %broadcast_in_dim3A_895 : vector<2048x128xi1>, vector<2048x128xi32>
    %lt3A_897 = arith.cmpf olt, %select_n3A_891, %select_n3A_869 : vector<2048x128xf32>
    %select_n3A_898 = arith.select %lt3A_897, %select_n3A_891, %select_n3A_869 : vector<2048x128xi1>, vector<2048x128xf32>
    %select_n3A_899 = arith.select %lt3A_897, %select_n3A_896, %select_n3A_870 : vector<2048x128xi1>, vector<2048x128xi32>
    %get3A_900 = arith.constant 0 : index
    %get3A_901 = arith.constant 7936 : index
    %get3A_902 = vector.load %arg7[%get3A_900, %get3A_901] : memref<256x8192xf32, #tpu.memory_space<vmem>>, vector<256x256xf32>
    %dot_general3A_903 = arith.constant dense<0.000000e+00> : vector<2048x256xf32>
    %dot_general3A_904 = tpu.matmul %mul3A_5, %get3A_902, %dot_general3A_903 {dimension_numbers = #tpu.dot_dimension_numbers<[1], [0], [0], [1], [0, 0, 1, 1], [], []>, transpose_lhs_hint = false} : vector<2048x256xf32>, vector<256x256xf32>, vector<2048x256xf32> -> vector<2048x256xf32>
    %get3A_905 = arith.constant 0 : index
    %get3A_906 = arith.constant 7936 : index
    %get3A_907 = vector.load %arg4[%get3A_905, %get3A_906] : memref<1x8192xf32, #tpu.memory_space<vmem>>, vector<1x128xf32>
    %add3A_908 = vector.broadcast %get3A_907 : vector<1x128xf32> to vector<2048x128xf32>
    %add3A_909 = arith.addf %broadcast_in_dim3A_9, %add3A_908 : vector<2048x128xf32>
    %slice3A_910 = vector.extract_strided_slice %dot_general3A_904 {offsets = [0, 0], sizes = [2048, 128], strides = [1, 1]} : vector<2048x256xf32> to vector<2048x128xf32>
    %add3A_911 = arith.addf %add3A_909, %slice3A_910 : vector<2048x128xf32>
    %get3A_912 = arith.constant 0 : index
    %get3A_913 = arith.constant 8064 : index
    %get3A_914 = vector.load %arg4[%get3A_912, %get3A_913] : memref<1x8192xf32, #tpu.memory_space<vmem>>, vector<1x128xf32>
    %add3A_915 = vector.broadcast %get3A_914 : vector<1x128xf32> to vector<2048x128xf32>
    %add3A_916 = arith.addf %broadcast_in_dim3A_9, %add3A_915 : vector<2048x128xf32>
    %slice3A_917 = vector.extract_strided_slice %dot_general3A_904 {offsets = [0, 128], sizes = [2048, 128], strides = [1, 1]} : vector<2048x256xf32> to vector<2048x128xf32>
    %add3A_918 = arith.addf %add3A_916, %slice3A_917 : vector<2048x128xf32>
    %lt3A_919 = arith.cmpf olt, %add3A_918, %add3A_911 : vector<2048x128xf32>
    %select_n3A_920 = arith.select %lt3A_919, %add3A_918, %add3A_911 : vector<2048x128xi1>, vector<2048x128xf32>
    %jit3A_921 = arith.constant 63 : i32
    %jit3A_922 = arith.constant 62 : i32
    %broadcast_in_dim3A_923 = vector.broadcast %jit3A_921 : i32 to vector<2048x128xi32>
    %broadcast_in_dim3A_924 = vector.broadcast %jit3A_922 : i32 to vector<2048x128xi32>
    %select_n3A_925 = arith.select %lt3A_919, %broadcast_in_dim3A_923, %broadcast_in_dim3A_924 : vector<2048x128xi1>, vector<2048x128xi32>
    %lt3A_926 = arith.cmpf olt, %select_n3A_920, %select_n3A_898 : vector<2048x128xf32>
    %select_n3A_927 = arith.select %lt3A_926, %select_n3A_920, %select_n3A_898 : vector<2048x128xi1>, vector<2048x128xf32>
    %select_n3A_928 = arith.select %lt3A_926, %select_n3A_925, %select_n3A_899 : vector<2048x128xi1>, vector<2048x128xi32>
    %mul3A_929 = arith.constant 128 : i32
    %mul3A_930 = vector.broadcast %mul3A_929 : i32 to vector<2048x128xi32>
    %mul3A_931 = arith.muli %select_n3A_928, %mul3A_930 : vector<2048x128xi32>
    %iota3A = tpu.iota {dimensions = array<i32: 1>} : vector<2048x128xi32>
    %add3A_932 = arith.addi %mul3A_931, %iota3A : vector<2048x128xi32>
    %reduce_min3A = arith.constant dense<0x7F800000> : vector<2048xf32>
    %reduce_min3A_933 = vector.multi_reduction <minimumf>, %select_n3A_927, %reduce_min3A [1] : vector<2048x128xf32> to vector<2048xf32>
    %broadcast_in_dim3A_934 = vector.shape_cast %reduce_min3A_933 : vector<2048xf32> to vector<2048x1xf32>
    %eq3A_935 = vector.broadcast %broadcast_in_dim3A_934 : vector<2048x1xf32> to vector<2048x128xf32>
    %eq3A_936 = arith.cmpf oeq, %select_n3A_927, %eq3A_935 : vector<2048x128xf32>
    %jit3A_937 = arith.constant 8192 : i32
    %broadcast_in_dim3A_938 = vector.broadcast %jit3A_937 : i32 to vector<2048x128xi32>
    %select_n3A_939 = arith.select %eq3A_936, %add3A_932, %broadcast_in_dim3A_938 : vector<2048x128xi1>, vector<2048x128xi32>
    %reduce_min3A_940 = arith.constant dense<2147483647> : vector<2048xi32>
    %reduce_min3A_941 = vector.multi_reduction <minsi>, %select_n3A_939, %reduce_min3A_940 [1] : vector<2048x128xi32> to vector<2048xi32>
    %broadcast_in_dim3A_942 = vector.shape_cast %reduce_min3A_941 : vector<2048xi32> to vector<2048x1xi32>
    %swap3A = arith.constant 0 : index
    %swap3A_943 = arith.constant 0 : index
    %swap3A_944 = vector.load %arg5[%swap3A, %swap3A_943] : memref<2048x1xi32, #tpu.memory_space<vmem>>, vector<2048x1xi32>
    tpu.vector_store %arg5[%swap3A, %swap3A_943], %broadcast_in_dim3A_942 {strides = array<i32>} : memref<2048x1xi32, #tpu.memory_space<vmem>>, vector<2048x1xi32>,
    %eq3A_945 = arith.constant 0 : i32
    %eq3A_946 = arith.cmpi eq, %arg0, %eq3A_945 : i32
    %convert_element_type3A_947 = arith.extui %eq3A_946 : i1 to i32
    %cond3A_948 = arith.constant 0 : i32
    %cond3A_949 = arith.cmpi ne, %convert_element_type3A_947, %cond3A_948 : i32
    scf.if %cond3A_949 {
      %broadcast_in_dim3A_962 = arith.constant 0.000000e+00 : f32
      %broadcast_in_dim3A_963 = vector.broadcast %broadcast_in_dim3A_962 : f32 to vector<1x1xf32>
      %swap3A_964 = arith.constant 0 : index
      %swap3A_965 = arith.constant 0 : index
      %swap3A_966 = vector.load %arg6[%swap3A_964, %swap3A_965] : memref<1x1xf32, #tpu.memory_space<vmem>>, vector<1x1xf32>
      tpu.vector_store %arg6[%swap3A_964, %swap3A_965], %broadcast_in_dim3A_963 {strides = array<i32>} : memref<1x1xf32, #tpu.memory_space<vmem>>, vector<1x1xf32>,
    } else {
    }
    %get3A_950 = arith.constant 0 : index
    %get3A_951 = arith.constant 0 : index
    %get3A_952 = vector.load %arg6[%get3A_950, %get3A_951] : memref<1x1xf32, #tpu.memory_space<vmem>>, vector<1x1xf32>
    %reduce_sum3A = vector.shape_cast %broadcast_in_dim3A_934 : vector<2048x1xf32> to vector<1x2048x1xf32>
    %reduce_sum3A_953 = arith.constant dense<0.000000e+00> : vector<1xf32>
    %reduce_sum3A_954 = vector.multi_reduction <add>, %reduce_sum3A, %reduce_sum3A_953 [1, 2] : vector<1x2048x1xf32> to vector<1xf32>
    %reduce_sum3A_955 = vector.shape_cast %reduce_sum3A_954 : vector<1xf32> to vector<1x1x1xf32>
    %reduce_sum3A_956 = vector.extract %reduce_sum3A_955[0, 0, 0] : f32 from vector<1x1x1xf32>
    %broadcast_in_dim3A_957 = vector.broadcast %reduce_sum3A_956 : f32 to vector<1x1xf32>
    %add3A_958 = arith.addf %get3A_952, %broadcast_in_dim3A_957 : vector<1x1xf32>
    %swap3A_959 = arith.constant 0 : index
    %swap3A_960 = arith.constant 0 : index
    %swap3A_961 = vector.load %arg6[%swap3A_959, %swap3A_960] : memref<1x1xf32, #tpu.memory_space<vmem>>, vector<1x1xf32>
    tpu.vector_store %arg6[%swap3A_959, %swap3A_960], %add3A_958 {strides = array<i32>} : memref<1x1xf32, #tpu.memory_space<vmem>>, vector<1x1xf32>,
    return
  }
  func.func @transform_0(%arg0: i32) -> (i32, i32) {
    %c0_i32 = arith.constant 0 : i32
    %c0_i32_0 = arith.constant 0 : i32
    return %arg0, %c0_i32 : i32, i32
  }
  func.func @transform_1(%arg0: i32) -> (i32, i32) {
    %c0_i32 = arith.constant 0 : i32
    %c0_i32_0 = arith.constant 0 : i32
    %c0_i32_1 = arith.constant 0 : i32
    return %c0_i32, %c0_i32_0 : i32, i32
  }
  func.func @transform_2(%arg0: i32) -> (i32, i32) {
    %c0_i32 = arith.constant 0 : i32
    %c0_i32_0 = arith.constant 0 : i32
    return %arg0, %c0_i32 : i32, i32
  }
  func.func @transform_3(%arg0: i32) -> (i32, i32) {
    %c0_i32 = arith.constant 0 : i32
    %c0_i32_0 = arith.constant 0 : i32
    %c0_i32_1 = arith.constant 0 : i32
    return %c0_i32, %c0_i32_0 : i32, i32
  }
  func.func @transform_4(%arg0: i32) -> (i32, i32) {
    %c0_i32 = arith.constant 0 : i32
    %c0_i32_0 = arith.constant 0 : i32
    return %arg0, %c0_i32 : i32, i32
  }
  func.func @transform_5(%arg0: i32) -> (i32, i32) {
    %c0_i32 = arith.constant 0 : i32
    %c0_i32_0 = arith.constant 0 : i32
    %c0_i32_1 = arith.constant 0 : i32
    return %c0_i32, %c0_i32_0 : i32, i32
  }
}

</mosaic_0001>

<sc_bundles>
// kernel: kernel.4.cloned.1.call-start
scs
__scs_entry_jumppad:
0x0: {  	(pc) =	sbr.rel $0x88, $3  }
0x1: {  	(tag) =	ssettag $0x0;
	lr =	simm.s32 $0x1  }
0x2: {  	[smem:$0x3F9F] =	sst lr;
	_ =	strace $0xD0000000  }
0x3: {  	_ = 	snop  }
0x4: {  	_ = 	snop  }
0x5: {  	_ = 	snop  }
0x6: {  	_ = 	snop  }
0x7: {  	_ = 	snop  }
__scs_overlays_trampoline_lowered:
0x8: {  	[smem:$0x3FAE] =	sst s0  }
0x9: {  	[smem:$0x3FAF] =	sst s1  }
0xa: {  	[smem:$0x3FB0] =	sst s2  }
0xb: {  	[smem:$0x3FB1] =	sst s3  }
0xc: {  	[smem:$0x3FB2] =	sst s4  }
0xd: {  	[smem:$0x3FB3] =	sst s5  }
0xe: {  	[smem:$0x3FB4] =	sst s6  }
0xf: {  	[smem:$0x3FB5] =	sst s7  }
0x10: {  	[smem:$0x3FB6] =	sst s8  }
0x11: {  	[smem:$0x3FB7] =	sst s9;
	s0 =	simm.s32 @!p0 $0x0  }
0x12: {  	s1 =	sld [smem:$0x3F9D];
	s0 =	simm.s32 @p0 $0x1  }
0x13: {  	[smem:$0x3FB8] =	sst s0;
	s0 =	simm.s32 @!p1 $0x0  }
0x14: {  	s2 =	sld [smem:$0x3F9C];
	s0 =	simm.s32 @p1 $0x1  }
0x15: {  	[smem:$0x3FB9] =	sst s0;
	s0 =	simm.s32 @!p2 $0x0  }
0x16: {  	s3 =	sld [smem:$0x3FDB];
	s0 =	simm.s32 @p2 $0x1  }
0x17: {  	s4 =	simm.s32 $0x1BF5;
	[smem:$0x3FBB] =	sst s0  }
0x18: {  	s0 =	sld [smem:$0x3F9E];
	_ =	swait.ge [sflag:s4], $0x0  }
0x19: {  	s7 =	sld [smem:$0x3F9F]  }
0x1a: {  	s8 =	sadd.s32 $0xFFFFE003, lr  }
0x1b: {  	s9 =	sadd.s32 $0xFFFFFEF7, lr;
	s5 =	simm.s32 $0xFFFFFFFF;
	p2 =	slt.u32 s8, $0xFFFFF086  }
0x1c: {  	p1 =	slt.u32 s9, $0xF7A;
	s5 =	simm.s32 @!p2 $0x0  }
0x1d: {  	s5 =	simm.s32 @p1 $0x1;
	p0 =	seq.s32 s7, s2  }
0x1e: {  	s7 =	smul.u32 @!p0 $0xF7A, s2;
	p2 =	seq.s32 @!p0 s5, $0x0  }
0x1f: {  	s9 =	smul.u32 $0xF7A, s1;
	s8 =	simm.s32 @!p0 $0x1BF5;
	p2 =	por !p2, p0  }
0x20: {  	[sflag:s8] =	ssyncset.s32 @!p0 $0xFFFFF086;
	s6 =	sadd.s32 @!p0 s3, s7;
	s7 =	simm.s32 @!p0 $0x108  }
0x21: {  	s3 =	sadd.s32 s3, s9;
	s6 =	sadd.s32 @!p0 $0x88, s6;
	s7 =	simm.s32 @p2 $0x1082  }
0x22: {  	[simem:s7], [sflag:s8] =	dma.local @!p0 [hbm:s6], $0xF7A  }
0x23: {  	s9 =	sor.u32 $0xD0000000, s2;
	s6 =	simm.s32 $0x108;
	_ =	swait.ge @!p0 [sflag:s8], $0x0  }
0x24: {  	s3 =	sadd.s32 $0x88, s3;
	s6 =	simm.s32 @!p1 $0x1082;
	[sflag:s4] =	ssyncset.s32 $0xFFFFF086  }
0x25: {  	[simem:s6], [sflag:s4] =	dma.local [hbm:s3], $0xF7A  }
0x26: {  	[smem:$0x3F9F] =	sst s1;
	(tag) =	ssettag s2;
	_ =	strace s9  }
0x27: {  	s1 =	sld [smem:$0x3FAF]  }
0x28: {  	s2 =	sld [smem:$0x3FB0]  }
0x29: {  	s4 =	sld [smem:$0x3FB2]  }
0x2a: {  	p0 =	seq.s32 s5, $0x0;
	s5 =	sld [smem:$0x3FB3]  }
0x2b: {  	s6 =	sld [smem:$0x3FB4]  }
0x2c: {  	s7 =	sld [smem:$0x3FB5]  }
0x2d: {  	s3 =	simm.s32 $0x108;
	s8 =	sld [smem:$0x3FB6]  }
0x2e: {  	s3 =	simm.s32 @!p0 $0x1082;
	s9 =	sld [smem:$0x3FB7]  }
0x2f: {  	lr =	sadd.s32 s0, s3;
	s0 =	sld [smem:$0x3FAE]  }
0x30: {  	s3 =	sld [smem:$0x3FB1]  }
0x31: {  	[smem:$0x3FBA] =	sst s10  }
0x32: {  	s10 =	sld [smem:$0x3FB8];
	_ =	sdelay $0x3  }
0x33: {  	p0 =	seq.s32 s10, $0x1;
	s10 =	sld [smem:$0x3FBA];
	_ =	sdelay $0x3  }
0x34: {  	[smem:$0x3FBA] =	sst s10  }
0x35: {  	s10 =	sld [smem:$0x3FB9];
	_ =	sdelay $0x3  }
0x36: {  	p1 =	seq.s32 s10, $0x1;
	s10 =	sld [smem:$0x3FBA];
	_ =	sdelay $0x3  }
0x37: {  	[smem:$0x3FBA] =	sst s10  }
0x38: {  	s10 =	sld [smem:$0x3FBB]  }
0x39: {  	_ = 	snop;
	(pc) =	sbr.ind lr, $3  }
0x3a: {  	_ = 	snop  }
0x3b: {  	_ = 	snop  }
0x3c: {  	p2 =	seq.s32 s10, $0x1;
	s10 =	sld [smem:$0x3FBA]  }
0x3d: {  	_ =	shalt  }
0x3e: {  	_ =	shalt  }
0x3f: {  	_ =	shalt  }
0x40: {  	_ =	shalt  }
0x41: {  	_ =	shalt  }
0x42: {  	_ =	shalt  }
0x43: {  	_ =	shalt  }
0x44: {  	_ =	shalt  }
0x45: {  	_ =	shalt  }
0x46: {  	_ =	shalt  }
0x47: {  	_ =	shalt  }
0x48: {  	_ =	shalt  }
0x49: {  	_ =	shalt  }
0x4a: {  	_ =	shalt  }
0x4b: {  	_ =	shalt  }
0x4c: {  	_ =	shalt  }
0x4d: {  	_ =	shalt  }
0x4e: {  	_ =	shalt  }
0x4f: {  	_ =	shalt  }
0x50: {  	_ =	shalt  }
0x51: {  	_ =	shalt  }
0x52: {  	_ =	shalt  }
0x53: {  	_ =	shalt  }
0x54: {  	_ =	shalt  }
0x55: {  	_ =	shalt  }
0x56: {  	_ =	shalt  }
0x57: {  	_ =	shalt  }
0x58: {  	_ =	shalt  }
0x59: {  	_ =	shalt  }
0x5a: {  	_ =	shalt  }
0x5b: {  	_ =	shalt  }
0x5c: {  	_ =	shalt  }
0x5d: {  	_ =	shalt  }
0x5e: {  	_ =	shalt  }
0x5f: {  	_ =	shalt  }
0x60: {  	_ =	shalt  }
0x61: {  	_ =	shalt  }
0x62: {  	_ =	shalt  }
0x63: {  	_ =	shalt  }
0x64: {  	_ =	shalt  }
0x65: {  	_ =	shalt  }
0x66: {  	_ =	shalt  }
0x67: {  	_ =	shalt  }
0x68: {  	_ =	shalt  }
0x69: {  	_ =	shalt  }
0x6a: {  	_ =	shalt  }
0x6b: {  	_ =	shalt  }
0x6c: {  	_ =	shalt  }
0x6d: {  	_ =	shalt  }
0x6e: {  	_ =	shalt  }
0x6f: {  	_ =	shalt  }
0x70: {  	_ =	shalt  }
0x71: {  	_ =	shalt  }
0x72: {  	_ =	shalt  }
0x73: {  	_ =	shalt  }
0x74: {  	_ =	shalt  }
0x75: {  	_ =	shalt  }
0x76: {  	_ =	shalt  }
0x77: {  	_ =	shalt  }
0x78: {  	_ =	shalt  }
0x79: {  	_ =	shalt  }
0x7a: {  	_ =	shalt  }
0x7b: {  	_ =	shalt  }
0x7c: {  	_ =	shalt  }
0x7d: {  	_ =	shalt  }
0x7e: {  	_ =	shalt  }
0x7f: {  	_ =	shalt  }
0x80: {  	_ =	shalt  }
0x81: {  	_ =	shalt  }
0x82: {  	_ =	shalt  }
0x83: {  	_ =	shalt  }
0x84: {  	_ =	shalt  }
0x85: {  	_ =	shalt  }
0x86: {  	_ =	shalt  }
0x87: {  	_ =	shalt  }
.Lfunc_end0:
.L_simem_size_0:
called_computation_lowered:
.L_overlay_start_0:
0x88: {  	s2 =	sld [smem:$0x3FD9]  }
0x89: {  	s3 =	sld [smem:$0x3FFE];
	_ =	sdelay $0x1  }
0x8a: {  	s1 =	srdreg.scid  }
0x8b: {  	s0 =	sand.u32 $0x1, s1  }
0x8c: {  	s14 =	sshll.u32 s0, $0xA;
	s2 =	sadd.s32 s3, s2  }
0x8d: {  	s2 =	sadd.s32 s2, s14  }
0x8e: {  	[smem:$0x3FC6] =	sst s2  }
0x8f: {  	_ = 	snop  }
0x90: {  	s2 =	sld [smem:$0x3FD0];
	_ =	sdelay $0x2  }
0x91: {  	s4 =	simm.s32 $0xA;
	s5 =	simm.s32 $0x10;
	s15 =	sld [smem:$0x3FC8]  }
0x92: {  	[smem:s5], [sflag:s4] =	dma.local [hbm:s2], $0x1  }
0x93: {  	_ =	swait.eq [sflag:s4], $0x1  }
0x94: {  	[sflag:s4] =	ssyncset.done $0x0  }
0x95: {  	[sflag:s4] =	ssyncadd.s32 $0xFFFFFFFF  }
0x96: {  	s16 =	sld [smem:$0x10];
	(tm) =	ssettm $0x1  }
0x97: {  	s17 =	sld [smem:$0x3FFB];
	_ =	sdelay $0x3  }
0x98: {  	_ =	strace s17  }
0x99: {  	s4 =	sld [smem:$0x3FFC];
	_ =	sdelay $0x3  }
0x9a: {  	_ =	strace s4  }
0x9b: {  	s4 =	sld [smem:$0x3FFD];
	_ =	sdelay $0x3  }
0x9c: {  	_ =	strace s4  }
0x9d: {  	_ =	strace $0x8FFFFFFF  }
0x9e: {  	s18 =	sld [smem:$0x3FDB];
	_ =	sdelay $0x1  }
0x9f: {  	s19 =	simm.s32 $_scs_section_size  }
0xa0: {  	s6 =	simm.s32 $_size__tile_overlayer_lowered;
	s7 =	simm.s32 $_tile_overlayer_lowered  }
0xa1: {  	s22 =	simm.s32 $0x1BFF;
	s21 =	sshll.u32 s7, $0x1;
	s4 =	sadd.s32 s19, s18  }
0xa2: {  	s8 =	simm.s32 $0x0;
	s20 =	sshll.u32 s6, $0x1;
	s6 =	sadd.s32 s21, s4  }
0xa3: {  	[timem:s8], [sflag:s22] =	dma.local [hbm:s6], s20  }
0xa4: {  	_ =	swait.ge [sflag:s22], s20  }
0xa5: {  	s5 =	ssub.s32 $0x0, s20;
	[sflag:s22] =	ssyncset.done $0x0  }
0xa6: {  	[sflag:s22] =	ssyncadd.s32 s5;
	_ =	sdelay $0x1  }
0xa7: {  	s23 =	simm.s32 $0x1B8B  }
0xa8: {  	_ =	swait.ge [sflag:s23], $0x1  }
0xa9: {  	[sflag:s23] =	ssyncset.done $0x0  }
0xaa: {  	s25 =	simm.s32 $0x1B8E;
	s24 =	sld [smem:$0x3FFE];
	[sflag:s23] =	ssyncadd.s32 $0xFFFFFFFF  }
0xab: {  	s26 =	simm.s32 $execute0_lowered;
	[smem:$0x3FD2] =	sst s25  }
0xac: {  	s6 =	sshll.u32 s26, $0x1;
	_ =	strace $0x80000046;
	[dreg:$0x1] =	wrdreg $0xFFFFFFFF  }
0xad: {  	s28 =	simm.s32 $_size_execute0_lowered;
	s4 =	sadd.s32 s4, s6;
	[dreg:$0x0] =	wrdreg $0x0  }
0xae: {  	s6 =	sshll.u32 s28, $0x1;
	[dreg:$0x2] =	wrdreg s4  }
0xaf: {  	[dreg:$0x3] =	wrdreg s6  }
0xb0: {  	[dreg:$0x4] =	wrdreg $0xC0  }
0xb1: {  	_ =	task [dreg:s8], $0x5FFFF  }
0xb2: {  	[dreg:$0x1] =	wrdreg $0xFFFFFFFF  }
0xb3: {  	[dreg:$0x0] =	wrdreg $0x60  }
0xb4: {  	[dreg:$0x2] =	wrdreg s15  }
0xb5: {  	[dreg:$0x3] =	wrdreg s24  }
0xb6: {  	[dreg:$0x4] =	wrdreg s16  }
0xb7: {  	[dreg:$0x5] =	wrdreg $0x9  }
0xb8: {  	_ =	task.clear_ibuf [dreg:s8], $0x6FFFF;
	_ =	strace $0x90000046  }
0xb9: {  	s29 =	simm.s32 $0x9;
	_ =	strace $0x80000048  }
0xba: {  	_ =	swait.ge [sflag:s29], $0x1  }
0xbb: {  	[sflag:s29] =	ssyncadd.s32 $0xFFFFFFFF  }
0xbc: {  	_ =	strace $0x90000048  }
0xbd: {  	_ =	sfence  }
0xbe: {  	s30 =	sld [smem:$0x0];
	_ =	sdelay $0x2  }
0xbf: {  	s31 =	sshll.u32 s1, $0xD;
	s1 =	sshrl.u32 s1, $0x2  }
0xc0: {  	s3 =	sand.u32 $0x4000, s31;
	s1 =	sadd.s32 s1, s30  }
0xc1: {  	s0 =	sor.u32 s3, s0;
	s1 =	sshll.u32 s1, $0x11  }
0xc2: {  	s0 =	sor.u32 s1, s0  }
0xc3: {  	s0 =	sadd.s32 $0x8F2B, s0  }
0xc4: {  	[sflag:s0] =	ssyncadd.remote.s32 $0x1  }
0xc5: {  	_ =	sfence.sel $0xFFFF  }
0xc6: {  	[dreg:$0x0] =	wrdreg $0xFFFFFFFF;
	(pc) =	sbr.abs _section_cstart, $3  }
0xc7: {  	[dreg:$0x1] =	wrdreg $0xFFFFFFFF  }
0xc8: {  	_ =	task.clear_ibuf [dreg:s8], $0x2FFFF;
	_ =	strace $0x9FFFFFFF  }
0xc9: {  	(tm) =	ssettm $0x7FFFFFFF  }
tec
execute0_lowered:
.L_overlay_start_1:
0x0: {  	(tag) =	ssettag $0x1  }
0x1: {  	s1 =	rddreg [dreg:$0x0]  }
0x2: {  	s0 =	rddreg [dreg:$0x1]  }
0x3: {  	s2 =	rddreg [dreg:$0x2];
	s3 =	simm.s32 $0x0;
	s4 =	srdreg.scid  }
0x4: {  	s8 =	stileid.u32;
	s15 =	simm.s32 $0x2;
	s17 =	simm.s32 $0x1200  }
0x5: {  	s18 =	simm.s32 $0x1A00;
	s19 =	simm.s32 $0x2200;
	s20 =	simm.s32 $0x2A00  }
0x6: {  	s21 =	simm.s32 $0x3200;
	s28 =	simm.s32 $0x5A00;
	s29 =	simm.s32 $0x6200  }
0x7: {  	s30 =	simm.s32 $0x6A00;
	s31 =	simm.s32 $0x7200;
	s14 =	simm.s32 $0x8200  }
0x8: {  	s9 =	simm.s32 $0x9A00;
	s10 =	simm.s32 $0xA200;
	s11 =	simm.s32 $0xAA00  }
0x9: {  	s13 =	simm.s32 $0xBA00;
	[smem:$0x7FF] =	sst s3;
	s5 =	sand.u32 $0x1, s4  }
0xa: {  	s6 =	sshll.u32 s8, $0xF;
	s8 =	sshll.u32 s8, $0x7;
	s4 =	sshll.u32 s5, $0x6  }
0xb: {  	s7 =	sshll.u32 s5, $0xE;
	_ =	strace $0x80000047;
	s24 =	ssub.s32 $0x2, s5  }
0xc: {  	s0 =	sadd.s32 s0, s4;
	s22 =	sor.u32 s7, s6;
	s5 =	sshrl.u32 s24, $0x1  }
0xd: {  	s6 =	simm.s32 $0x3;
	s7 =	simm.s32 $0xC200;
	s0 =	sadd.s32 s8, s0  }
0xe: {  	s4 =	sadd.s32 s2, s22;
	s2 =	ssub.s32 s24, s5;
	[dreg:$0x4] =	wrdreg s0  }
0xf: {  	s22 =	simm.s32 $0x3A00;
	s23 =	sadd.s32 $0x1000, s4;
	[dreg:$0x8] =	wrdreg s4  }
0x10: {  	s24 =	simm.s32 $0x4200;
	s25 =	sadd.s32 $0x2000, s4;
	[dreg:$0x5] =	wrdreg s23  }
0x11: {  	v2 =	vlaneseq.u32;
	s8 =	simm.s32 $0x9200;
	s26 =	sadd.s32 $0x3000, s4;
	[dreg:$0x6] =	wrdreg s25  }
0x12: {  	vm0 =	vmmov $0xffff;
	v1 =	vshrl.u32 v2, $0x3;
	s5 =	smax.u32 s2, $0x1;
	s2 =	simm.s32 $0x1;
	[dreg:$0x7] =	wrdreg s26  }
0x13: {  	v0 =	vand.u32 $0x7, v2;
	v2 =	vor.u32 $0x8, v2;
	v1 =	vmul.u32 $0x8, v1;
	s25 =	simm.s32 $0x4A00;
	s26 =	simm.s32 $0x5200;
	s23 =	simm.s32 $0x200  }
.LBB2_1:
0x14: {  	s16 =	rddreg [dreg:$0x4]  }
0x15: {  	[tilespmem:s3], [sflag:$0x3] =	stream.linear.gather [hbm4b:s16+s3], $0x200, $0x38;
	[tilespmem:$0x10200] =	vst v63  }
0x16: {  	_ =	swait.ge [sflag:s6], $0x200  }
0x17: {  	[sflag:s6] =	ssyncset.done $0x0  }
0x18: {  	[sflag:s6] =	ssyncadd.s32 $0xFFFFFE00  }
0x19: {  	v3 =	vld [tilespmem:$0x0];
	_ =	sdelay $0x4  }
0x1a: {  	v4 =	vshll.u32 v3, $0x1  }
0x1b: {  	v3 =	vand.u32 $0x7, v3;
	v4 =	vand.u32 $0xFFFFFFF0, v4  }
0x1c: {  	v3 =	vor.u32 v3, v4  }
0x1d: {  	v4 =	vperm.xlane v3, v0;
	_ =	sdelay $0x1  }
0x1e: {  	v3 =	vperm.xlane v3, v2;
	v4 =	vadd.s32 v1, v4;
	_ =	sdelay $0x1  }
0x1f: {  	v3 =	vadd.s32 v1, v3;
	_ =	sdelay $0x1  }
0x20: {  	s0 =	simm.s32 $0x200  }
0x21: {  	[tilespmem:s0], [sflag:$0x1] =	stream.indirect_vreg.gather [hbm4b:s1+s3], $0x80, v4, vm0, $0xb8;
	[tilespmem:$0x10200] =	vst v63  }
0x22: {  	s16 =	simm.s32 $0xA00  }
0x23: {  	[tilespmem:s16], [sflag:$0x1] =	stream.indirect_vreg.gather [hbm4b:s1+s3], $0x80, v3, vm0, $0xb8;
	[tilespmem:$0x10200] =	vst v63  }
0x24: {  	v3 =	vld [tilespmem:$0x10];
	_ =	sdelay $0x4  }
0x25: {  	v33 =	vshll.u32 v3, $0x1  }
0x26: {  	v3 =	vand.u32 $0x7, v3;
	v4 =	vand.u32 $0xFFFFFFF0, v33  }
0x27: {  	v3 =	vor.u32 v3, v4  }
0x28: {  	v4 =	vperm.xlane v3, v0;
	_ =	sdelay $0x1  }
0x29: {  	v3 =	vperm.xlane v3, v2;
	v4 =	vadd.s32 v1, v4;
	_ =	sdelay $0x1  }
0x2a: {  	v3 =	vadd.s32 v1, v3;
	_ =	sdelay $0x2  }
0x2b: {  	[tilespmem:s17], [sflag:$0x1] =	stream.indirect_vreg.gather [hbm4b:s1+s3], $0x80, v4, vm0, $0xb8;
	[tilespmem:$0x10200] =	vst v63  }
0x2c: {  	_ = 	snop  }
0x2d: {  	[tilespmem:s18], [sflag:$0x1] =	stream.indirect_vreg.gather [hbm4b:s1+s3], $0x80, v3, vm0, $0xb8;
	[tilespmem:$0x10200] =	vst v63  }
0x2e: {  	v3 =	vld [tilespmem:$0x20];
	_ =	sdelay $0x4  }
0x2f: {  	v34 =	vshll.u32 v3, $0x1  }
0x30: {  	v3 =	vand.u32 $0x7, v3;
	v4 =	vand.u32 $0xFFFFFFF0, v34  }
0x31: {  	v3 =	vor.u32 v3, v4  }
0x32: {  	v4 =	vperm.xlane v3, v0;
	_ =	sdelay $0x1  }
0x33: {  	v3 =	vperm.xlane v3, v2;
	v4 =	vadd.s32 v1, v4;
	_ =	sdelay $0x1  }
0x34: {  	v3 =	vadd.s32 v1, v3;
	_ =	sdelay $0x2  }
0x35: {  	[tilespmem:s19], [sflag:$0x1] =	stream.indirect_vreg.gather [hbm4b:s1+s3], $0x80, v4, vm0, $0xb8;
	[tilespmem:$0x10200] =	vst v63  }
0x36: {  	_ = 	snop  }
0x37: {  	[tilespmem:s20], [sflag:$0x1] =	stream.indirect_vreg.gather [hbm4b:s1+s3], $0x80, v3, vm0, $0xb8;
	[tilespmem:$0x10200] =	vst v63  }
0x38: {  	v3 =	vld [tilespmem:$0x30];
	_ =	sdelay $0x4  }
0x39: {  	v35 =	vshll.u32 v3, $0x1  }
0x3a: {  	v3 =	vand.u32 $0x7, v3;
	v4 =	vand.u32 $0xFFFFFFF0, v35  }
0x3b: {  	v3 =	vor.u32 v3, v4  }
0x3c: {  	v4 =	vperm.xlane v3, v0;
	_ =	sdelay $0x1  }
0x3d: {  	v3 =	vperm.xlane v3, v2;
	v4 =	vadd.s32 v1, v4;
	_ =	sdelay $0x1  }
0x3e: {  	v3 =	vadd.s32 v1, v3;
	_ =	sdelay $0x2  }
0x3f: {  	[tilespmem:s21], [sflag:$0x1] =	stream.indirect_vreg.gather [hbm4b:s1+s3], $0x80, v4, vm0, $0xb8;
	[tilespmem:$0x10200] =	vst v63  }
0x40: {  	_ = 	snop  }
0x41: {  	[tilespmem:s22], [sflag:$0x1] =	stream.indirect_vreg.gather [hbm4b:s1+s3], $0x80, v3, vm0, $0xb8;
	[tilespmem:$0x10200] =	vst v63  }
0x42: {  	v3 =	vld [tilespmem:$0x40];
	_ =	sdelay $0x4  }
0x43: {  	v36 =	vshll.u32 v3, $0x1  }
0x44: {  	v3 =	vand.u32 $0x7, v3;
	v4 =	vand.u32 $0xFFFFFFF0, v36  }
0x45: {  	v3 =	vor.u32 v3, v4  }
0x46: {  	v4 =	vperm.xlane v3, v0;
	_ =	sdelay $0x1  }
0x47: {  	v3 =	vperm.xlane v3, v2;
	v4 =	vadd.s32 v1, v4;
	_ =	sdelay $0x1  }
0x48: {  	v3 =	vadd.s32 v1, v3;
	_ =	sdelay $0x2  }
0x49: {  	[tilespmem:s24], [sflag:$0x1] =	stream.indirect_vreg.gather [hbm4b:s1+s3], $0x80, v4, vm0, $0xb8;
	[tilespmem:$0x10200] =	vst v63  }
0x4a: {  	_ = 	snop  }
0x4b: {  	[tilespmem:s25], [sflag:$0x1] =	stream.indirect_vreg.gather [hbm4b:s1+s3], $0x80, v3, vm0, $0xb8;
	[tilespmem:$0x10200] =	vst v63  }
0x4c: {  	v3 =	vld [tilespmem:$0x50];
	_ =	sdelay $0x4  }
0x4d: {  	v37 =	vshll.u32 v3, $0x1  }
0x4e: {  	v3 =	vand.u32 $0x7, v3;
	v4 =	vand.u32 $0xFFFFFFF0, v37  }
0x4f: {  	v3 =	vor.u32 v3, v4  }
0x50: {  	v4 =	vperm.xlane v3, v0;
	_ =	sdelay $0x1  }
0x51: {  	v3 =	vperm.xlane v3, v2;
	v4 =	vadd.s32 v1, v4;
	_ =	sdelay $0x1  }
0x52: {  	v3 =	vadd.s32 v1, v3;
	_ =	sdelay $0x2  }
0x53: {  	[tilespmem:s26], [sflag:$0x1] =	stream.indirect_vreg.gather [hbm4b:s1+s3], $0x80, v4, vm0, $0xb8;
	[tilespmem:$0x10200] =	vst v63  }
0x54: {  	_ = 	snop  }
0x55: {  	[tilespmem:s28], [sflag:$0x1] =	stream.indirect_vreg.gather [hbm4b:s1+s3], $0x80, v3, vm0, $0xb8;
	[tilespmem:$0x10200] =	vst v63  }
0x56: {  	v3 =	vld [tilespmem:$0x60];
	_ =	sdelay $0x4  }
0x57: {  	v38 =	vshll.u32 v3, $0x1  }
0x58: {  	v3 =	vand.u32 $0x7, v3;
	v4 =	vand.u32 $0xFFFFFFF0, v38  }
0x59: {  	v3 =	vor.u32 v3, v4  }
0x5a: {  	v4 =	vperm.xlane v3, v0;
	_ =	sdelay $0x1  }
0x5b: {  	v3 =	vperm.xlane v3, v2;
	v4 =	vadd.s32 v1, v4;
	_ =	sdelay $0x1  }
0x5c: {  	v3 =	vadd.s32 v1, v3;
	_ =	sdelay $0x2  }
0x5d: {  	[tilespmem:s29], [sflag:$0x1] =	stream.indirect_vreg.gather [hbm4b:s1+s3], $0x80, v4, vm0, $0xb8;
	[tilespmem:$0x10200] =	vst v63  }
0x5e: {  	_ = 	snop  }
0x5f: {  	[tilespmem:s30], [sflag:$0x1] =	stream.indirect_vreg.gather [hbm4b:s1+s3], $0x80, v3, vm0, $0xb8;
	[tilespmem:$0x10200] =	vst v63  }
0x60: {  	v3 =	vld [tilespmem:$0x70];
	_ =	sdelay $0x4  }
0x61: {  	v39 =	vshll.u32 v3, $0x1  }
0x62: {  	v3 =	vand.u32 $0x7, v3;
	v4 =	vand.u32 $0xFFFFFFF0, v39  }
0x63: {  	v3 =	vor.u32 v3, v4  }
0x64: {  	v4 =	vperm.xlane v3, v0;
	_ =	sdelay $0x1  }
0x65: {  	v3 =	vperm.xlane v3, v2;
	v4 =	vadd.s32 v1, v4;
	_ =	sdelay $0x1  }
0x66: {  	v3 =	vadd.s32 v1, v3;
	_ =	sdelay $0x2  }
0x67: {  	[tilespmem:s31], [sflag:$0x1] =	stream.indirect_vreg.gather [hbm4b:s1+s3], $0x80, v4, vm0, $0xb8;
	[tilespmem:$0x10200] =	vst v63  }
0x68: {  	s0 =	simm.s32 $0x7A00  }
0x69: {  	[tilespmem:s0], [sflag:$0x1] =	stream.indirect_vreg.gather [hbm4b:s1+s3], $0x80, v3, vm0, $0xb8;
	[tilespmem:$0x10200] =	vst v63  }
0x6a: {  	v3 =	vld [tilespmem:$0x80];
	_ =	sdelay $0x4  }
0x6b: {  	v40 =	vshll.u32 v3, $0x1  }
0x6c: {  	v3 =	vand.u32 $0x7, v3;
	v4 =	vand.u32 $0xFFFFFFF0, v40  }
0x6d: {  	v3 =	vor.u32 v3, v4  }
0x6e: {  	v4 =	vperm.xlane v3, v0;
	_ =	sdelay $0x1  }
0x6f: {  	v3 =	vperm.xlane v3, v2;
	v4 =	vadd.s32 v1, v4;
	_ =	sdelay $0x1  }
0x70: {  	v3 =	vadd.s32 v1, v3;
	_ =	sdelay $0x2  }
0x71: {  	[tilespmem:s14], [sflag:$0x2] =	stream.indirect_vreg.gather [hbm4b:s1+s3], $0x80, v4, vm0, $0xb8;
	[tilespmem:$0x10200] =	vst v63  }
0x72: {  	s4 =	simm.s32 $0x8A00  }
0x73: {  	[tilespmem:s4], [sflag:$0x2] =	stream.indirect_vreg.gather [hbm4b:s1+s3], $0x80, v3, vm0, $0xb8;
	[tilespmem:$0x10200] =	vst v63  }
0x74: {  	v3 =	vld [tilespmem:$0x90];
	_ =	sdelay $0x4  }
0x75: {  	v41 =	vshll.u32 v3, $0x1  }
0x76: {  	v3 =	vand.u32 $0x7, v3;
	v4 =	vand.u32 $0xFFFFFFF0, v41  }
0x77: {  	v3 =	vor.u32 v3, v4  }
0x78: {  	v4 =	vperm.xlane v3, v0;
	_ =	sdelay $0x1  }
0x79: {  	v3 =	vperm.xlane v3, v2;
	v4 =	vadd.s32 v1, v4;
	_ =	sdelay $0x1  }
0x7a: {  	v3 =	vadd.s32 v1, v3;
	_ =	sdelay $0x2  }
0x7b: {  	[tilespmem:s8], [sflag:$0x2] =	stream.indirect_vreg.gather [hbm4b:s1+s3], $0x80, v4, vm0, $0xb8;
	[tilespmem:$0x10200] =	vst v63  }
0x7c: {  	_ = 	snop  }
0x7d: {  	[tilespmem:s9], [sflag:$0x2] =	stream.indirect_vreg.gather [hbm4b:s1+s3], $0x80, v3, vm0, $0xb8;
	[tilespmem:$0x10200] =	vst v63  }
0x7e: {  	v3 =	vld [tilespmem:$0xA0];
	_ =	sdelay $0x4  }
0x7f: {  	v42 =	vshll.u32 v3, $0x1  }
0x80: {  	v3 =	vand.u32 $0x7, v3;
	v4 =	vand.u32 $0xFFFFFFF0, v42  }
0x81: {  	v3 =	vor.u32 v3, v4  }
0x82: {  	v4 =	vperm.xlane v3, v0;
	_ =	sdelay $0x1  }
0x83: {  	v3 =	vperm.xlane v3, v2;
	v4 =	vadd.s32 v1, v4;
	_ =	sdelay $0x1  }
0x84: {  	v3 =	vadd.s32 v1, v3;
	_ =	sdelay $0x2  }
0x85: {  	[tilespmem:s10], [sflag:$0x2] =	stream.indirect_vreg.gather [hbm4b:s1+s3], $0x80, v4, vm0, $0xb8;
	[tilespmem:$0x10200] =	vst v63  }
0x86: {  	_ = 	snop  }
0x87: {  	[tilespmem:s11], [sflag:$0x2] =	stream.indirect_vreg.gather [hbm4b:s1+s3], $0x80, v3, vm0, $0xb8;
	[tilespmem:$0x10200] =	vst v63  }
0x88: {  	v3 =	vld [tilespmem:$0xB0];
	_ =	sdelay $0x4  }
0x89: {  	v43 =	vshll.u32 v3, $0x1  }
0x8a: {  	v3 =	vand.u32 $0x7, v3;
	v4 =	vand.u32 $0xFFFFFFF0, v43  }
0x8b: {  	v3 =	vor.u32 v3, v4  }
0x8c: {  	v4 =	vperm.xlane v3, v0;
	_ =	sdelay $0x1  }
0x8d: {  	v3 =	vperm.xlane v3, v2;
	v4 =	vadd.s32 v1, v4;
	_ =	sdelay $0x1  }
0x8e: {  	v3 =	vadd.s32 v1, v3;
	_ =	sdelay $0x1  }
0x8f: {  	s4 =	simm.s32 $0xB200  }
0x90: {  	[tilespmem:s4], [sflag:$0x2] =	stream.indirect_vreg.gather [hbm4b:s1+s3], $0x80, v4, vm0, $0xb8;
	[tilespmem:$0x10200] =	vst v63  }
0x91: {  	_ = 	snop  }
0x92: {  	[tilespmem:s13], [sflag:$0x2] =	stream.indirect_vreg.gather [hbm4b:s1+s3], $0x80, v3, vm0, $0xb8;
	[tilespmem:$0x10200] =	vst v63  }
0x93: {  	v3 =	vld [tilespmem:$0xC0];
	_ =	sdelay $0x4  }
0x94: {  	v44 =	vshll.u32 v3, $0x1  }
0x95: {  	v3 =	vand.u32 $0x7, v3;
	v4 =	vand.u32 $0xFFFFFFF0, v44  }
0x96: {  	v3 =	vor.u32 v3, v4  }
0x97: {  	v4 =	vperm.xlane v3, v0;
	_ =	sdelay $0x1  }
0x98: {  	v3 =	vperm.xlane v3, v2;
	v4 =	vadd.s32 v1, v4;
	_ =	sdelay $0x1  }
0x99: {  	v3 =	vadd.s32 v1, v3;
	_ =	sdelay $0x2  }
0x9a: {  	[tilespmem:s7], [sflag:$0x2] =	stream.indirect_vreg.gather [hbm4b:s1+s3], $0x80, v4, vm0, $0xb8;
	[tilespmem:$0x10200] =	vst v63  }
0x9b: {  	s12 =	simm.s32 $0xCA00  }
0x9c: {  	[tilespmem:s12], [sflag:$0x2] =	stream.indirect_vreg.gather [hbm4b:s1+s3], $0x80, v3, vm0, $0xb8;
	[tilespmem:$0x10200] =	vst v63  }
0x9d: {  	v3 =	vld [tilespmem:$0xD0];
	_ =	sdelay $0x4  }
0x9e: {  	v45 =	vshll.u32 v3, $0x1  }
0x9f: {  	v3 =	vand.u32 $0x7, v3;
	v4 =	vand.u32 $0xFFFFFFF0, v45  }
0xa0: {  	v3 =	vor.u32 v3, v4  }
0xa1: {  	v4 =	vperm.xlane v3, v0;
	_ =	sdelay $0x1  }
0xa2: {  	v3 =	vperm.xlane v3, v2;
	v4 =	vadd.s32 v1, v4;
	_ =	sdelay $0x1  }
0xa3: {  	v3 =	vadd.s32 v1, v3;
	_ =	sdelay $0x1  }
0xa4: {  	s12 =	simm.s32 $0xD200  }
0xa5: {  	[tilespmem:s12], [sflag:$0x2] =	stream.indirect_vreg.gather [hbm4b:s1+s3], $0x80, v4, vm0, $0xb8;
	[tilespmem:$0x10200] =	vst v63  }
0xa6: {  	s12 =	simm.s32 $0xDA00  }
0xa7: {  	[tilespmem:s12], [sflag:$0x2] =	stream.indirect_vreg.gather [hbm4b:s1+s3], $0x80, v3, vm0, $0xb8;
	[tilespmem:$0x10200] =	vst v63  }
0xa8: {  	v3 =	vld [tilespmem:$0xE0];
	_ =	sdelay $0x4  }
0xa9: {  	v46 =	vshll.u32 v3, $0x1  }
0xaa: {  	v3 =	vand.u32 $0x7, v3;
	v4 =	vand.u32 $0xFFFFFFF0, v46  }
0xab: {  	v3 =	vor.u32 v3, v4  }
0xac: {  	v4 =	vperm.xlane v3, v0;
	_ =	sdelay $0x1  }
0xad: {  	v3 =	vperm.xlane v3, v2;
	v4 =	vadd.s32 v1, v4;
	_ =	sdelay $0x1  }
0xae: {  	v3 =	vadd.s32 v1, v3;
	_ =	sdelay $0x1  }
0xaf: {  	s12 =	simm.s32 $0xE200  }
0xb0: {  	[tilespmem:s12], [sflag:$0x2] =	stream.indirect_vreg.gather [hbm4b:s1+s3], $0x80, v4, vm0, $0xb8;
	[tilespmem:$0x10200] =	vst v63  }
0xb1: {  	s12 =	simm.s32 $0xEA00  }
0xb2: {  	[tilespmem:s12], [sflag:$0x2] =	stream.indirect_vreg.gather [hbm4b:s1+s3], $0x80, v3, vm0, $0xb8;
	[tilespmem:$0x10200] =	vst v63  }
0xb3: {  	v3 =	vld [tilespmem:$0xF0];
	_ =	sdelay $0x4  }
0xb4: {  	v47 =	vshll.u32 v3, $0x1  }
0xb5: {  	v3 =	vand.u32 $0x7, v3;
	v4 =	vand.u32 $0xFFFFFFF0, v47  }
0xb6: {  	v3 =	vor.u32 v3, v4  }
0xb7: {  	v4 =	vperm.xlane v3, v0;
	_ =	sdelay $0x1  }
0xb8: {  	v3 =	vperm.xlane v3, v2;
	v4 =	vadd.s32 v1, v4;
	_ =	sdelay $0x1  }
0xb9: {  	v3 =	vadd.s32 v1, v3;
	_ =	sdelay $0x1  }
0xba: {  	s12 =	simm.s32 $0xF200  }
0xbb: {  	[tilespmem:s12], [sflag:$0x2] =	stream.indirect_vreg.gather [hbm4b:s1+s3], $0x80, v4, vm0, $0xb8;
	[tilespmem:$0x10200] =	vst v63  }
0xbc: {  	s12 =	simm.s32 $0xFA00  }
0xbd: {  	[tilespmem:s12], [sflag:$0x2] =	stream.indirect_vreg.gather [hbm4b:s1+s3], $0x80, v3, vm0, $0xb8;
	[tilespmem:$0x10200] =	vst v63  }
0xbe: {  	_ =	swait.ge [sflag:s2], $0x8000  }
0xbf: {  	[sflag:s2] =	ssyncset.done $0x0  }
0xc0: {  	s12 =	rddreg [dreg:$0x8];
	[sflag:s2] =	ssyncadd.s32 $0xFFFF8000  }
0xc1: {  	[hbm4b:s12+s3] =	stream.linear.scatter [tilespmem:s23], [sflag:$0x3], $0x8000, $0x38;
	[tilespmem:$0x10200] =	vst v63  }
0xc2: {  	_ =	swait.ge [sflag:s6], $0x8000  }
0xc3: {  	[sflag:s6] =	ssyncset.done $0x0  }
0xc4: {  	[sflag:s6] =	ssyncadd.s32 $0xFFFF8000  }
0xc5: {  	v3 =	vld [tilespmem:$0x100];
	_ =	sdelay $0x4  }
0xc6: {  	v48 =	vshll.u32 v3, $0x1  }
0xc7: {  	v3 =	vand.u32 $0x7, v3;
	v4 =	vand.u32 $0xFFFFFFF0, v48  }
0xc8: {  	v3 =	vor.u32 v3, v4  }
0xc9: {  	v4 =	vperm.xlane v3, v0;
	_ =	sdelay $0x1  }
0xca: {  	v3 =	vperm.xlane v3, v2;
	v4 =	vadd.s32 v1, v4;
	_ =	sdelay $0x1  }
0xcb: {  	v3 =	vadd.s32 v1, v3;
	_ =	sdelay $0x2  }
0xcc: {  	[tilespmem:s23], [sflag:$0x1] =	stream.indirect_vreg.gather [hbm4b:s1+s3], $0x80, v4, vm0, $0xb8;
	[tilespmem:$0x10200] =	vst v63  }
0xcd: {  	_ = 	snop  }
0xce: {  	[tilespmem:s16], [sflag:$0x1] =	stream.indirect_vreg.gather [hbm4b:s1+s3], $0x80, v3, vm0, $0xb8;
	[tilespmem:$0x10200] =	vst v63  }
0xcf: {  	v3 =	vld [tilespmem:$0x110];
	_ =	sdelay $0x4  }
0xd0: {  	v49 =	vshll.u32 v3, $0x1  }
0xd1: {  	v3 =	vand.u32 $0x7, v3;
	v4 =	vand.u32 $0xFFFFFFF0, v49  }
0xd2: {  	v3 =	vor.u32 v3, v4  }
0xd3: {  	v4 =	vperm.xlane v3, v0;
	_ =	sdelay $0x1  }
0xd4: {  	v3 =	vperm.xlane v3, v2;
	v4 =	vadd.s32 v1, v4;
	_ =	sdelay $0x1  }
0xd5: {  	v3 =	vadd.s32 v1, v3;
	_ =	sdelay $0x2  }
0xd6: {  	[tilespmem:s17], [sflag:$0x1] =	stream.indirect_vreg.gather [hbm4b:s1+s3], $0x80, v4, vm0, $0xb8;
	[tilespmem:$0x10200] =	vst v63  }
0xd7: {  	_ = 	snop  }
0xd8: {  	[tilespmem:s18], [sflag:$0x1] =	stream.indirect_vreg.gather [hbm4b:s1+s3], $0x80, v3, vm0, $0xb8;
	[tilespmem:$0x10200] =	vst v63  }
0xd9: {  	v3 =	vld [tilespmem:$0x120];
	_ =	sdelay $0x4  }
0xda: {  	v50 =	vshll.u32 v3, $0x1  }
0xdb: {  	v3 =	vand.u32 $0x7, v3;
	v4 =	vand.u32 $0xFFFFFFF0, v50  }
0xdc: {  	v3 =	vor.u32 v3, v4  }
0xdd: {  	v4 =	vperm.xlane v3, v0;
	_ =	sdelay $0x1  }
0xde: {  	v3 =	vperm.xlane v3, v2;
	v4 =	vadd.s32 v1, v4;
	_ =	sdelay $0x1  }
0xdf: {  	v3 =	vadd.s32 v1, v3;
	_ =	sdelay $0x2  }
0xe0: {  	[tilespmem:s19], [sflag:$0x1] =	stream.indirect_vreg.gather [hbm4b:s1+s3], $0x80, v4, vm0, $0xb8;
	[tilespmem:$0x10200] =	vst v63  }
0xe1: {  	_ = 	snop  }
0xe2: {  	[tilespmem:s20], [sflag:$0x1] =	stream.indirect_vreg.gather [hbm4b:s1+s3], $0x80, v3, vm0, $0xb8;
	[tilespmem:$0x10200] =	vst v63  }
0xe3: {  	v3 =	vld [tilespmem:$0x130];
	_ =	sdelay $0x4  }
0xe4: {  	v51 =	vshll.u32 v3, $0x1  }
0xe5: {  	v3 =	vand.u32 $0x7, v3;
	v4 =	vand.u32 $0xFFFFFFF0, v51  }
0xe6: {  	v3 =	vor.u32 v3, v4  }
0xe7: {  	v4 =	vperm.xlane v3, v0;
	_ =	sdelay $0x1  }
0xe8: {  	v3 =	vperm.xlane v3, v2;
	v4 =	vadd.s32 v1, v4;
	_ =	sdelay $0x1  }
0xe9: {  	v3 =	vadd.s32 v1, v3;
	_ =	sdelay $0x2  }
0xea: {  	[tilespmem:s21], [sflag:$0x1] =	stream.indirect_vreg.gather [hbm4b:s1+s3], $0x80, v4, vm0, $0xb8;
	[tilespmem:$0x10200] =	vst v63  }
0xeb: {  	_ = 	snop  }
0xec: {  	[tilespmem:s22], [sflag:$0x1] =	stream.indirect_vreg.gather [hbm4b:s1+s3], $0x80, v3, vm0, $0xb8;
	[tilespmem:$0x10200] =	vst v63  }
0xed: {  	v3 =	vld [tilespmem:$0x140];
	_ =	sdelay $0x4  }
0xee: {  	v52 =	vshll.u32 v3, $0x1  }
0xef: {  	v3 =	vand.u32 $0x7, v3;
	v4 =	vand.u32 $0xFFFFFFF0, v52  }
0xf0: {  	v3 =	vor.u32 v3, v4  }
0xf1: {  	v4 =	vperm.xlane v3, v0;
	_ =	sdelay $0x1  }
0xf2: {  	v3 =	vperm.xlane v3, v2;
	v4 =	vadd.s32 v1, v4;
	_ =	sdelay $0x1  }
0xf3: {  	v3 =	vadd.s32 v1, v3;
	_ =	sdelay $0x2  }
0xf4: {  	[tilespmem:s24], [sflag:$0x1] =	stream.indirect_vreg.gather [hbm4b:s1+s3], $0x80, v4, vm0, $0xb8;
	[tilespmem:$0x10200] =	vst v63  }
0xf5: {  	_ = 	snop  }
0xf6: {  	[tilespmem:s25], [sflag:$0x1] =	stream.indirect_vreg.gather [hbm4b:s1+s3], $0x80, v3, vm0, $0xb8;
	[tilespmem:$0x10200] =	vst v63  }
0xf7: {  	v3 =	vld [tilespmem:$0x150];
	_ =	sdelay $0x4  }
0xf8: {  	v53 =	vshll.u32 v3, $0x1  }
0xf9: {  	v3 =	vand.u32 $0x7, v3;
	v4 =	vand.u32 $0xFFFFFFF0, v53  }
0xfa: {  	v3 =	vor.u32 v3, v4  }
0xfb: {  	v4 =	vperm.xlane v3, v0;
	_ =	sdelay $0x1  }
0xfc: {  	v3 =	vperm.xlane v3, v2;
	v4 =	vadd.s32 v1, v4;
	_ =	sdelay $0x1  }
0xfd: {  	v3 =	vadd.s32 v1, v3;
	_ =	sdelay $0x2  }
0xfe: {  	[tilespmem:s26], [sflag:$0x1] =	stream.indirect_vreg.gather [hbm4b:s1+s3], $0x80, v4, vm0, $0xb8;
	[tilespmem:$0x10200] =	vst v63  }
0xff: {  	_ = 	snop  }
0x100: {  	[tilespmem:s28], [sflag:$0x1] =	stream.indirect_vreg.gather [hbm4b:s1+s3], $0x80, v3, vm0, $0xb8;
	[tilespmem:$0x10200] =	vst v63  }
0x101: {  	v3 =	vld [tilespmem:$0x160];
	_ =	sdelay $0x4  }
0x102: {  	v54 =	vshll.u32 v3, $0x1  }
0x103: {  	v3 =	vand.u32 $0x7, v3;
	v4 =	vand.u32 $0xFFFFFFF0, v54  }
0x104: {  	v3 =	vor.u32 v3, v4  }
0x105: {  	v4 =	vperm.xlane v3, v0;
	_ =	sdelay $0x1  }
0x106: {  	v3 =	vperm.xlane v3, v2;
	v4 =	vadd.s32 v1, v4;
	_ =	sdelay $0x1  }
0x107: {  	v3 =	vadd.s32 v1, v3;
	_ =	sdelay $0x2  }
0x108: {  	[tilespmem:s29], [sflag:$0x1] =	stream.indirect_vreg.gather [hbm4b:s1+s3], $0x80, v4, vm0, $0xb8;
	[tilespmem:$0x10200] =	vst v63  }
0x109: {  	_ = 	snop  }
0x10a: {  	[tilespmem:s30], [sflag:$0x1] =	stream.indirect_vreg.gather [hbm4b:s1+s3], $0x80, v3, vm0, $0xb8;
	[tilespmem:$0x10200] =	vst v63  }
0x10b: {  	v3 =	vld [tilespmem:$0x170];
	_ =	sdelay $0x4  }
0x10c: {  	v55 =	vshll.u32 v3, $0x1  }
0x10d: {  	v3 =	vand.u32 $0x7, v3;
	v4 =	vand.u32 $0xFFFFFFF0, v55  }
0x10e: {  	v3 =	vor.u32 v3, v4  }
0x10f: {  	v4 =	vperm.xlane v3, v0;
	_ =	sdelay $0x1  }
0x110: {  	v3 =	vperm.xlane v3, v2;
	v4 =	vadd.s32 v1, v4;
	_ =	sdelay $0x1  }
0x111: {  	v3 =	vadd.s32 v1, v3;
	_ =	sdelay $0x2  }
0x112: {  	[tilespmem:s31], [sflag:$0x1] =	stream.indirect_vreg.gather [hbm4b:s1+s3], $0x80, v4, vm0, $0xb8;
	[tilespmem:$0x10200] =	vst v63  }
0x113: {  	_ = 	snop  }
0x114: {  	[tilespmem:s0], [sflag:$0x1] =	stream.indirect_vreg.gather [hbm4b:s1+s3], $0x80, v3, vm0, $0xb8;
	[tilespmem:$0x10200] =	vst v63  }
0x115: {  	_ =	swait.ge [sflag:s15], $0x8000  }
0x116: {  	[sflag:s15] =	ssyncset.done $0x0  }
0x117: {  	s0 =	rddreg [dreg:$0x5];
	[sflag:s15] =	ssyncadd.s32 $0xFFFF8000  }
0x118: {  	[hbm4b:s0+s3] =	stream.linear.scatter [tilespmem:s14], [sflag:$0x3], $0x8000, $0x38;
	[tilespmem:$0x10200] =	vst v63  }
0x119: {  	_ =	swait.ge [sflag:s6], $0x8000  }
0x11a: {  	[sflag:s6] =	ssyncset.done $0x0  }
0x11b: {  	[sflag:s6] =	ssyncadd.s32 $0xFFFF8000  }
0x11c: {  	v3 =	vld [tilespmem:$0x180];
	_ =	sdelay $0x4  }
0x11d: {  	v56 =	vshll.u32 v3, $0x1  }
0x11e: {  	v3 =	vand.u32 $0x7, v3;
	v4 =	vand.u32 $0xFFFFFFF0, v56  }
0x11f: {  	v3 =	vor.u32 v3, v4  }
0x120: {  	v4 =	vperm.xlane v3, v0;
	_ =	sdelay $0x1  }
0x121: {  	v3 =	vperm.xlane v3, v2;
	v4 =	vadd.s32 v1, v4;
	_ =	sdelay $0x1  }
0x122: {  	v3 =	vadd.s32 v1, v3;
	_ =	sdelay $0x2  }
0x123: {  	[tilespmem:s14], [sflag:$0x2] =	stream.indirect_vreg.gather [hbm4b:s1+s3], $0x80, v4, vm0, $0xb8;
	[tilespmem:$0x10200] =	vst v63  }
0x124: {  	s16 =	simm.s32 $0x8A00  }
0x125: {  	[tilespmem:s16], [sflag:$0x2] =	stream.indirect_vreg.gather [hbm4b:s1+s3], $0x80, v3, vm0, $0xb8;
	[tilespmem:$0x10200] =	vst v63  }
0x126: {  	v3 =	vld [tilespmem:$0x190];
	_ =	sdelay $0x4  }
0x127: {  	v57 =	vshll.u32 v3, $0x1  }
0x128: {  	v3 =	vand.u32 $0x7, v3;
	v4 =	vand.u32 $0xFFFFFFF0, v57  }
0x129: {  	v3 =	vor.u32 v3, v4  }
0x12a: {  	v4 =	vperm.xlane v3, v0;
	_ =	sdelay $0x1  }
0x12b: {  	v3 =	vperm.xlane v3, v2;
	v4 =	vadd.s32 v1, v4;
	_ =	sdelay $0x1  }
0x12c: {  	v3 =	vadd.s32 v1, v3;
	_ =	sdelay $0x2  }
0x12d: {  	[tilespmem:s8], [sflag:$0x2] =	stream.indirect_vreg.gather [hbm4b:s1+s3], $0x80, v4, vm0, $0xb8;
	[tilespmem:$0x10200] =	vst v63  }
0x12e: {  	_ = 	snop  }
0x12f: {  	[tilespmem:s9], [sflag:$0x2] =	stream.indirect_vreg.gather [hbm4b:s1+s3], $0x80, v3, vm0, $0xb8;
	[tilespmem:$0x10200] =	vst v63  }
0x130: {  	v3 =	vld [tilespmem:$0x1A0];
	_ =	sdelay $0x4  }
0x131: {  	v58 =	vshll.u32 v3, $0x1  }
0x132: {  	v3 =	vand.u32 $0x7, v3;
	v4 =	vand.u32 $0xFFFFFFF0, v58  }
0x133: {  	v3 =	vor.u32 v3, v4  }
0x134: {  	v4 =	vperm.xlane v3, v0;
	_ =	sdelay $0x1  }
0x135: {  	v3 =	vperm.xlane v3, v2;
	v4 =	vadd.s32 v1, v4;
	_ =	sdelay $0x1  }
0x136: {  	v3 =	vadd.s32 v1, v3;
	_ =	sdelay $0x2  }
0x137: {  	[tilespmem:s10], [sflag:$0x2] =	stream.indirect_vreg.gather [hbm4b:s1+s3], $0x80, v4, vm0, $0xb8;
	[tilespmem:$0x10200] =	vst v63  }
0x138: {  	_ = 	snop  }
0x139: {  	[tilespmem:s11], [sflag:$0x2] =	stream.indirect_vreg.gather [hbm4b:s1+s3], $0x80, v3, vm0, $0xb8;
	[tilespmem:$0x10200] =	vst v63  }
0x13a: {  	v3 =	vld [tilespmem:$0x1B0];
	_ =	sdelay $0x4  }
0x13b: {  	v59 =	vshll.u32 v3, $0x1  }
0x13c: {  	v3 =	vand.u32 $0x7, v3;
	v4 =	vand.u32 $0xFFFFFFF0, v59  }
0x13d: {  	v3 =	vor.u32 v3, v4  }
0x13e: {  	v4 =	vperm.xlane v3, v0;
	_ =	sdelay $0x1  }
0x13f: {  	v3 =	vperm.xlane v3, v2;
	v4 =	vadd.s32 v1, v4;
	_ =	sdelay $0x1  }
0x140: {  	v3 =	vadd.s32 v1, v3;
	_ =	sdelay $0x2  }
0x141: {  	[tilespmem:s4], [sflag:$0x2] =	stream.indirect_vreg.gather [hbm4b:s1+s3], $0x80, v4, vm0, $0xb8;
	[tilespmem:$0x10200] =	vst v63  }
0x142: {  	_ = 	snop  }
0x143: {  	[tilespmem:s13], [sflag:$0x2] =	stream.indirect_vreg.gather [hbm4b:s1+s3], $0x80, v3, vm0, $0xb8;
	[tilespmem:$0x10200] =	vst v63  }
0x144: {  	v3 =	vld [tilespmem:$0x1C0];
	_ =	sdelay $0x4  }
0x145: {  	v60 =	vshll.u32 v3, $0x1  }
0x146: {  	v3 =	vand.u32 $0x7, v3;
	v4 =	vand.u32 $0xFFFFFFF0, v60  }
0x147: {  	v3 =	vor.u32 v3, v4  }
0x148: {  	v4 =	vperm.xlane v3, v0;
	_ =	sdelay $0x1  }
0x149: {  	v3 =	vperm.xlane v3, v2;
	v4 =	vadd.s32 v1, v4;
	_ =	sdelay $0x1  }
0x14a: {  	v3 =	vadd.s32 v1, v3;
	_ =	sdelay $0x2  }
0x14b: {  	[tilespmem:s7], [sflag:$0x2] =	stream.indirect_vreg.gather [hbm4b:s1+s3], $0x80, v4, vm0, $0xb8;
	[tilespmem:$0x10200] =	vst v63  }
0x14c: {  	s16 =	simm.s32 $0xCA00  }
0x14d: {  	[tilespmem:s16], [sflag:$0x2] =	stream.indirect_vreg.gather [hbm4b:s1+s3], $0x80, v3, vm0, $0xb8;
	[tilespmem:$0x10200] =	vst v63  }
0x14e: {  	v3 =	vld [tilespmem:$0x1D0];
	_ =	sdelay $0x4  }
0x14f: {  	v61 =	vshll.u32 v3, $0x1  }
0x150: {  	v3 =	vand.u32 $0x7, v3;
	v4 =	vand.u32 $0xFFFFFFF0, v61  }
0x151: {  	v3 =	vor.u32 v3, v4  }
0x152: {  	v4 =	vperm.xlane v3, v0;
	_ =	sdelay $0x1  }
0x153: {  	v3 =	vperm.xlane v3, v2;
	v4 =	vadd.s32 v1, v4;
	_ =	sdelay $0x1  }
0x154: {  	v3 =	vadd.s32 v1, v3;
	_ =	sdelay $0x1  }
0x155: {  	s4 =	simm.s32 $0xD200  }
0x156: {  	[tilespmem:s4], [sflag:$0x2] =	stream.indirect_vreg.gather [hbm4b:s1+s3], $0x80, v4, vm0, $0xb8;
	[tilespmem:$0x10200] =	vst v63  }
0x157: {  	s16 =	simm.s32 $0xDA00  }
0x158: {  	[tilespmem:s16], [sflag:$0x2] =	stream.indirect_vreg.gather [hbm4b:s1+s3], $0x80, v3, vm0, $0xb8;
	[tilespmem:$0x10200] =	vst v63  }
0x159: {  	v3 =	vld [tilespmem:$0x1E0];
	_ =	sdelay $0x4  }
0x15a: {  	v62 =	vshll.u32 v3, $0x1  }
0x15b: {  	v3 =	vand.u32 $0x7, v3;
	v4 =	vand.u32 $0xFFFFFFF0, v62  }
0x15c: {  	v3 =	vor.u32 v3, v4  }
0x15d: {  	v4 =	vperm.xlane v3, v0;
	_ =	sdelay $0x1  }
0x15e: {  	v3 =	vperm.xlane v3, v2;
	v4 =	vadd.s32 v1, v4;
	_ =	sdelay $0x1  }
0x15f: {  	v3 =	vadd.s32 v1, v3;
	_ =	sdelay $0x1  }
0x160: {  	s4 =	simm.s32 $0xE200  }
0x161: {  	[tilespmem:s4], [sflag:$0x2] =	stream.indirect_vreg.gather [hbm4b:s1+s3], $0x80, v4, vm0, $0xb8;
	[tilespmem:$0x10200] =	vst v63  }
0x162: {  	s16 =	simm.s32 $0xEA00  }
0x163: {  	[tilespmem:s16], [sflag:$0x2] =	stream.indirect_vreg.gather [hbm4b:s1+s3], $0x80, v3, vm0, $0xb8;
	[tilespmem:$0x10200] =	vst v63  }
0x164: {  	v3 =	vld [tilespmem:$0x1F0];
	_ =	sdelay $0x4  }
0x165: {  	v63 =	vshll.u32 v3, $0x1  }
0x166: {  	v3 =	vand.u32 $0x7, v3;
	v4 =	vand.u32 $0xFFFFFFF0, v63  }
0x167: {  	v3 =	vor.u32 v3, v4  }
0x168: {  	v4 =	vperm.xlane v3, v0;
	_ =	sdelay $0x1  }
0x169: {  	v3 =	vperm.xlane v3, v2;
	v4 =	vadd.s32 v1, v4;
	_ =	sdelay $0x1  }
0x16a: {  	v3 =	vadd.s32 v1, v3;
	_ =	sdelay $0x1  }
0x16b: {  	s4 =	simm.s32 $0xF200  }
0x16c: {  	[tilespmem:s4], [sflag:$0x2] =	stream.indirect_vreg.gather [hbm4b:s1+s3], $0x80, v4, vm0, $0xb8;
	[tilespmem:$0x10200] =	vst v63  }
0x16d: {  	s16 =	simm.s32 $0xFA00  }
0x16e: {  	[tilespmem:s16], [sflag:$0x2] =	stream.indirect_vreg.gather [hbm4b:s1+s3], $0x80, v3, vm0, $0xb8;
	[tilespmem:$0x10200] =	vst v63  }
0x16f: {  	_ =	swait.ge [sflag:s2], $0x8000  }
0x170: {  	[sflag:s2] =	ssyncset.done $0x0  }
0x171: {  	s12 =	simm.s32 $0x200;
	s4 =	rddreg [dreg:$0x6];
	[sflag:s2] =	ssyncadd.s32 $0xFFFF8000  }
0x172: {  	[hbm4b:s4+s3] =	stream.linear.scatter [tilespmem:s12], [sflag:$0x3], $0x8000, $0x38;
	[tilespmem:$0x10200] =	vst v63  }
0x173: {  	_ =	swait.ge [sflag:s6], $0x8000  }
0x174: {  	[sflag:s6] =	ssyncset.done $0x0  }
0x175: {  	[sflag:s6] =	ssyncadd.s32 $0xFFFF8000  }
0x176: {  	_ =	swait.ge [sflag:s15], $0x8000  }
0x177: {  	p0 =	sne.s32 s5, $0x1;
	[sflag:s15] =	ssyncset.done $0x0  }
.Ltmp0:
0x178: {  	s12 =	rddreg [dreg:$0x7];
	[sflag:s15] =	ssyncadd.s32 $0xFFFF8000;
	(pc) =	sbr.rel @p0 .LBB2_1-.Ltmp0, $4  }
0x179: {  	[hbm4b:s12+s3] =	stream.linear.scatter [tilespmem:s14], [sflag:$0x3], $0x8000, $0x38;
	[tilespmem:$0x10200] =	vst v63  }
0x17a: {  	_ =	swait.ge [sflag:s6], $0x8000  }
0x17b: {  	[sflag:s6] =	ssyncset.done $0x0  }
0x17c: {  	s5 =	sadd.s32 $0xFFFFFFFF, s5;
	[sflag:s6] =	ssyncadd.s32 $0xFFFF8000  }
0x17d: {  	_ =	sfence.sel $0x180000  }
0x17e: {  	[bflag:$0x0] =	sbarrier.arrive $0xFFFF  }
0x17f: {  	_ =	strace $0x90000047  }
0x180: {  	s0 =	stileid.u32;
	[bflag:$0x2] =	sbarrier.arrive $0xFFFF  }
0x181: {  	p0 =	sne.s32 s0, $0x0;
	s0 =	rddreg [dreg:$0x3]  }
0x182: {  	s0 =	sadd.s32 @!p0 $0x100000, s0  }
0x183: {  	[sflag:s0] =	ssyncadd.tile.s32 @!p0 $0x1;
	_ =	shalt  }
.Lfunc_end2:
_tile_overlayer_lowered:
.L_overlay_start_2:
0x184: {  	(tag) =	ssettag $0x2  }
0x185: {  	s0 =	rddreg [dreg:$0x0];
	s2 =	stileid.u32  }
0x186: {  	s1 =	rddreg [dreg:$0x1];
	p0 =	sne.s32 s2, $0x0  }
0x187: {  	s3 =	rddreg [dreg:$0x2];
	[bflag:$0x3] =	sbarrier.arrive $0xFFFF;
	s2 =	simm.s32 @!p0 $0x1C03  }
0x188: {  	[timem:s3], [sflag:s2] =	dma.local @!p0 [hbm:s0], s1  }
0x189: {  	s0 =	simm.s32 @!p0 $0x3  }
0x18a: {  	_ =	swait.ge @!p0 [sflag:s0], s1  }
0x18b: {  	s1 =	ssub.s32 @!p0 $0x0, s1;
	[sflag:s0] =	ssyncset.done @!p0 $0x0  }
0x18c: {  	[sflag:s0] =	ssyncadd.s32 @!p0 s1  }
0x18d: {  	[bflag:$0x3] =	sbarrier.arrive $0xFFFF  }
0x18e: {  	_ =	shalt  }

</sc_bundles>
